<compile_context>
chip_gen: v7x
topology: tpu7x:2x2x1
jax: 0.10.2.dev20260603
libtpu: 0.0.44.dev20260713+nightly
codegen_flags: <defaults>
</compile_context>

<pallas_src>
import functools

import jax
import jax.numpy as jnp
from jax import lax
from jax.experimental import pallas as pl
from jax.experimental.pallas import tpu as pltpu
from jax.experimental.pallas import tpu_sc as plsc

N = 10000
E = 160000
D = 256
DH = 128
NP = 10240
NC = 2
NS = 16
NW = NC * NS
K = 64
CH = 160
EPT = CH * K
EP = NS * EPT
EPW = EP // NW
ZR = 64
NBUF = 4
LEAD = 2
SGC = 8
SGK = SGC * K
NSG = CH // SGC

_mesh = plsc.VectorSubcoreMesh(core_axis_name="c", subcore_axis_name="s")


@functools.partial(
    pl.kernel,
    out_type=jax.ShapeDtypeStruct((NW, NP), jnp.float32),
    mesh=_mesh,
    scratch_types=[
        pltpu.VMEM((EPW,), jnp.int32),
        pltpu.VMEM((NP,), jnp.float32),
    ],
    compiler_params=pltpu.CompilerParams(needs_layout_passes=False),
)
def _deg_kernel(dst_hbm, deg_out, idx_v, deg_v):
    c = lax.axis_index("c")
    s = lax.axis_index("s")
    w = c * NS + s
    pltpu.sync_copy(dst_hbm.at[pl.ds(w * EPW, EPW)], idx_v)

    zeros16 = jnp.zeros((16,), jnp.float32)

    def _zero(i, _):
        deg_v[pl.ds(i * 16, 16)] = zeros16
        return ()

    lax.fori_loop(0, NP // 16, _zero, ())

    ones16 = jnp.ones((16,), jnp.float32)

    def _count(i, _):
        idx = idx_v[pl.ds(i * 16, 16)]
        plsc.addupdate_scatter(deg_v, [idx], ones16)
        return ()

    lax.fori_loop(0, EPW // 16, _count, ())
    pltpu.sync_copy(deg_v, deg_out.at[w])


BN2 = 512
NB2 = NP // BN2


def _dinv_from_partials(degp):
    deg = jnp.sum(degp, axis=0)
    return jnp.where(deg > 0, lax.rsqrt(jnp.maximum(deg, 1e-12)), 0.0)


def _scale_body(degp_ref, x_ref, xs_ref):
    dinv = _dinv_from_partials(degp_ref[...])
    xs_ref[...] = x_ref[...] * dinv[:, None]


def _prescale(deg_p, x_p):
    return pl.pallas_call(
        _scale_body,
        grid=(NB2, NC),
        in_specs=[
            pl.BlockSpec((NW, BN2), lambda i, c: (0, i)),
            pl.BlockSpec((BN2, DH), lambda i, c: (i, c)),
        ],
        out_specs=pl.BlockSpec((BN2, DH), lambda i, c: (c * NB2 + i, 0)),
        out_shape=jax.ShapeDtypeStruct((NC * NP, DH), jnp.float32),
    )(deg_p, x_p)


@functools.partial(
    pl.kernel,
    out_type=jax.ShapeDtypeStruct((NC, NP, DH), jnp.float32),
    mesh=_mesh,
    scratch_types=[
        [pltpu.VMEM((SGK,), jnp.int32) for _ in range(2)],
        [pltpu.VMEM((SGC, K), jnp.int32) for _ in range(2)],
        [pltpu.VMEM((K, DH), jnp.float32) for _ in range(NBUF)],
        pltpu.SemaphoreType.DMA,
        pltpu.SemaphoreType.DMA,
        pltpu.VMEM_SHARED((NP, DH), jnp.float32),
        pltpu.SemaphoreType.DMA,
    ],
)
def _agg_kernel(xs_hbm, src_hbm, dst_hbm, zero_hbm, agg_out,
                src_sg, dst_sg, rows_bufs, isem, gsem, acc_sh, ssem):
    c = lax.axis_index("c")
    s = lax.axis_index("s")

    def _zero(r, _):
        pltpu.sync_copy(zero_hbm, acc_sh.at[pl.ds(s * (NP // NS) + r * ZR, ZR)])
        return ()

    lax.fori_loop(0, NP // NS // ZR, _zero, ())

    def _stage(sg, p):
        pltpu.async_copy(src_hbm.at[c, pl.ds(s * EPT + sg * SGK, SGK)],
                         src_sg[p], isem)
        pltpu.async_copy(dst_hbm.at[s, pl.ds(sg * SGC, SGC)], dst_sg[p], isem)

    def _stage_wait():
        pltpu.make_async_copy(src_hbm.at[c, pl.ds(0, SGK)], src_sg[0],
                              isem).wait()
        pltpu.make_async_copy(dst_hbm.at[s, pl.ds(0, SGC)], dst_sg[0],
                              isem).wait()

    def _gather(t, p, off, b):
        pltpu.async_copy(xs_hbm.at[src_sg[p].at[pl.ds(off * K, K)]],
                         rows_bufs[b], gsem)

    def _gather_wait():
        pltpu.make_async_copy(xs_hbm.at[src_sg[0].at[pl.ds(0, K)]],
                              rows_bufs[0], gsem).wait()

    def _scatter(p, u, b):
        pltpu.async_copy(rows_bufs[b], acc_sh.at[dst_sg[p].at[u]], ssem,
                         add=True)

    def _scatter_wait():
        pltpu.make_async_copy(rows_bufs[0], acc_sh.at[dst_sg[0].at[0]],
                              ssem).wait()

    _stage(0, 0)
    _stage_wait()
    for t0 in range(LEAD):
        _gather(t0, 0, t0, t0 % NBUF)

    def _halfsg(q, half):
        sg = 2 * q + half
        p, pn = half, 1 - half
        for u in range(SGC):
            t = sg * SGC + u
            _gather_wait()
            _scatter(p, u, u % NBUF)

            @pl.when(t >= LEAD)
            def _():
                _scatter_wait()

            if u == LEAD:
                @pl.when(sg + 1 < NSG)
                def _():
                    _stage(sg + 1, pn)

            if u == SGC - LEAD:
                @pl.when(sg + 1 < NSG)
                def _():
                    _stage_wait()

            bn = (u + LEAD) % NBUF
            if u < SGC - LEAD:
                @pl.when(t + LEAD < CH)
                def _():
                    _gather(t + LEAD, p, u + LEAD, bn)
            else:
                @pl.when(t + LEAD < CH)
                def _():
                    _gather(t + LEAD, pn, u + LEAD - SGC, bn)

    def _qloop(q, _):
        _halfsg(q, 0)
        _halfsg(q, 1)
        return ()

    lax.fori_loop(0, NSG // 2, _qloop, ())
    for _ in range(LEAD):
        _scatter_wait()
    plsc.subcore_barrier()

    rows = NP // NS
    pltpu.sync_copy(acc_sh.at[pl.ds(s * rows, rows)],
                    agg_out.at[c, pl.ds(s * rows, rows)])


BN4 = 1024
NB4 = NP // BN4


def _out_body(degp_ref, a0_ref, a1_ref, w_ref, b_ref, o_ref):
    dinv = _dinv_from_partials(degp_ref[...])
    h0 = a0_ref[0] * dinv[:, None]
    h1 = a1_ref[0] * dinv[:, None]
    acc = lax.dot(h0, w_ref[0:DH, :], preferred_element_type=jnp.float32)
    acc += lax.dot(h1, w_ref[DH:D, :], preferred_element_type=jnp.float32)
    o_ref[...] = jnp.maximum(acc + b_ref[...], 0.0)


def _finalize(deg_p, agg, w, b2):
    return pl.pallas_call(
        _out_body,
        grid=(NB4,),
        in_specs=[
            pl.BlockSpec((NW, BN4), lambda i: (0, i)),
            pl.BlockSpec((1, BN4, DH), lambda i: (0, i, 0)),
            pl.BlockSpec((1, BN4, DH), lambda i: (1, i, 0)),
            pl.BlockSpec((D, D), lambda i: (0, 0)),
            pl.BlockSpec((1, D), lambda i: (0, 0)),
        ],
        out_specs=pl.BlockSpec((BN4, D), lambda i: (i, 0)),
        out_shape=jax.ShapeDtypeStruct((NP, D), jnp.float32),
    )(deg_p, agg, agg, w, b2)


def kernel(x, edge_index, W, b):
    src = edge_index[0].astype(jnp.int32)
    dst = edge_index[1].astype(jnp.int32)
    pad_e = EP - E
    src_p = jnp.concatenate(
        [src, (jnp.arange(pad_e, dtype=jnp.int32) * 521) % N])
    dst_p = jnp.concatenate(
        [dst, N + (jnp.arange(pad_e, dtype=jnp.int32) % (NP - N))])
    x_p = jnp.pad(x, ((0, NP - N), (0, 0)))
    zero_tile = jnp.zeros((ZR, DH), jnp.float32)
    b2 = b.reshape(1, D)

    src2 = jnp.stack([src_p, src_p + NP])
    deg_p = _deg_kernel(dst_p)
    xs = _prescale(deg_p, x_p)
    agg = _agg_kernel(xs, src2, dst_p.reshape(NS, CH, K), zero_tile)
    out_p = _finalize(deg_p, agg, W, b2)
    return out_p[:N]

# --- scband reference (transcript-rebuilt; emitter-appended) ---
"""Pipeline reference for scband-spatial-block-32830730011301 (READ-ONLY COPY).

The authoritative reference and input builder live on the scoring server;
editing this copy changes nothing except your own understanding.
"""

import jax, jax.numpy as jnp
import numpy as np

N = 10000
E = 160000
D_IN = 256
D_OUT = 256


def setup_inputs(seed: int = 0) -> dict:
    key = jax.random.key(seed)
    k_x, k_e, k_w = jax.random.split(key, 3)
    x = jax.random.normal(k_x, (N, D_IN), dtype=jnp.float32)
    edge_index = jax.random.randint(k_e, (2, E), 0, N, dtype=jnp.int64)
    W = jax.random.normal(k_w, (D_IN, D_OUT), dtype=jnp.float32) * (1.0 / np.sqrt(D_IN))
    b = jnp.zeros((D_OUT,), dtype=jnp.float32)
    return {"x": x, "edge_index": edge_index, "W": W, "b": b}


def reference(x, edge_index, W, b):
    # GCN-style conv (gnn_conv with gnn_name='gcn'):
    #   h = x @ W
    #   out[dst] = sum_{(src,dst) in E} norm(src,dst) * h[src] + b
    #   norm(src,dst) = deg(src)^{-1/2} * deg(dst)^{-1/2}
    # followed by ReLU (SpatialBlock.forward).
    src = edge_index[0]
    dst = edge_index[1]
    h = x @ W  # dense transform first (standard GCNConv ordering)
    ones = jnp.ones((E,), dtype=jnp.float32)
    deg = jax.ops.segment_sum(ones, dst, num_segments=N)
    deg_inv_sqrt = jnp.where(deg > 0, jax.lax.rsqrt(jnp.maximum(deg, 1e-12)), 0.0)
    norm = deg_inv_sqrt[src] * deg_inv_sqrt[dst]
    msgs = h[src] * norm[:, None]  # gather + scale
    agg = jax.ops.segment_sum(msgs, dst, num_segments=N)  # scatter-add
    out = agg + b
    return jax.nn.relu(out)

if __name__ == "__main__":
    import jax
    _d = setup_inputs()
    print(jax.jit(kernel)(*tuple(_d.values())))

</pallas_src>

<mosaic_0001>
#map = affine_map<(d0, d1) -> (0, 0)>
#map1 = affine_map<(d0, d1) -> (0, 0, 0)>
module attributes {stable_mosaic.version = 14 : i64} {
  func.func @_agg_kernel(%arg0: i32, %arg1: i32, %arg2: memref<20480x128xf32, #tpu.memory_space<hbm>>, %arg3: memref<2x163840xi32, #tpu.memory_space<hbm>>, %arg4: memref<16x160x64xi32, #tpu.memory_space<hbm>>, %arg5: memref<64x128xf32, #tpu.memory_space<hbm>>, %arg6: memref<2x10240x128xf32, #tpu.memory_space<hbm>>, %arg7: memref<512xi32, #tpu.memory_space<vmem>>, %arg8: memref<512xi32, #tpu.memory_space<vmem>>, %arg9: memref<8x64xi32, #tpu.memory_space<vmem>>, %arg10: memref<8x64xi32, #tpu.memory_space<vmem>>, %arg11: memref<64x128xf32, #tpu.memory_space<vmem>>, %arg12: memref<64x128xf32, #tpu.memory_space<vmem>>, %arg13: memref<64x128xf32, #tpu.memory_space<vmem>>, %arg14: memref<64x128xf32, #tpu.memory_space<vmem>>, %arg15: memref<!tpu.dma_semaphore, #tpu.memory_space<semaphore_mem>>, %arg16: memref<!tpu.dma_semaphore, #tpu.memory_space<semaphore_mem>>, %arg17: memref<10240x128xf32, #tpu.memory_space<vmem_shared>>, %arg18: memref<!tpu.dma_semaphore, #tpu.memory_space<semaphore_mem>>) attributes {dimension_semantics = [#tpu.dimension_semantics<core_parallel>, #tpu.dimension_semantics<subcore_parallel>], iteration_bounds = array<i64: 2, 16>, scalar_prefetch = 0 : i64, scratch_operands = 12 : i64, tpu.core_type = #tpu.core_type<sc_vector_subcore>, window_params = [{transform_indices = #map}, {transform_indices = #map}, {transform_indices = #map1}, {transform_indices = #map}, {transform_indices = #map1}]} {
    %scan3A = arith.constant 0 : i32
    %scan3A_0 = arith.constant 10 : i32
    %scan3A_1 = arith.addi %scan3A, %scan3A_0 : i32
    %scan3A_2 = arith.constant 1 : i32
    scf.for %scan3A_63 = %scan3A to %scan3A_1 step %scan3A_2  : i32 {
      %mul3A_64 = arith.constant 640 : i32
      %mul3A_65 = arith.muli %arg1, %mul3A_64 : i32
      %mul3A_66 = arith.constant 64 : i32
      %mul3A_67 = arith.muli %scan3A_63, %mul3A_66 : i32
      %add3A_68 = arith.addi %mul3A_65, %mul3A_67 : i32
      "tpu.region"() ({
        %run_scoped3A = tpu.sem_alloc : memref<!tpu.dma_semaphore, #tpu.memory_space<semaphore_mem>>
        %dma_start3A_69 = arith.constant 0 : i32
        %dma_start3A_70 = tpu.memref_slice %arg17[%add3A_68, %dma_start3A_69] : memref<10240x128xf32, #tpu.memory_space<vmem_shared>> -> memref<64x128xf32, #tpu.memory_space<vmem_shared>>
        tpu.enqueue_dma source(%arg5 : memref<64x128xf32, #tpu.memory_space<hbm>>) target(%dma_start3A_70 : memref<64x128xf32, #tpu.memory_space<vmem_shared>>) target_semaphore(%run_scoped3A : memref<!tpu.dma_semaphore, #tpu.memory_space<semaphore_mem>>)
        %dma_wait3A_71 = arith.constant 0 : i32
        %dma_wait3A_72 = tpu.memref_slice %arg17[%add3A_68, %dma_wait3A_71] : memref<10240x128xf32, #tpu.memory_space<vmem_shared>> -> memref<64x128xf32, #tpu.memory_space<vmem_shared>>
        tpu.wait_dma2 semaphore(%run_scoped3A : memref<!tpu.dma_semaphore, #tpu.memory_space<semaphore_mem>>) src(%arg5 : memref<64x128xf32, #tpu.memory_space<hbm>>) dst(%dma_wait3A_72 : memref<64x128xf32, #tpu.memory_space<vmem_shared>>)
        tpu.yield
      }) : () -> ()
    }
    %scan3A_3 = arith.constant 10 : i32
    %mul3A = arith.constant 10240 : i32
    %mul3A_4 = arith.muli %arg1, %mul3A : i32
    %add3A = arith.constant 0 : i32
    %add3A_5 = arith.addi %mul3A_4, %add3A : i32
    %dma_start3A = tpu.memref_slice %arg3[%arg0, %add3A_5] : memref<2x163840xi32, #tpu.memory_space<hbm>> -> memref<1x512xi32, #tpu.memory_space<hbm>>
    %dma_start3A_6 = tpu.memref_squeeze %dma_start3A : memref<1x512xi32, #tpu.memory_space<hbm>> -> memref<512xi32, #tpu.memory_space<hbm>>
    %dma_start3A_7 = tpu.memref_slice %arg3[%arg0, %add3A_5] : memref<2x163840xi32, #tpu.memory_space<hbm>> -> memref<1x512xi32, #tpu.memory_space<hbm>>
    %dma_start3A_8 = tpu.memref_squeeze %dma_start3A_7 : memref<1x512xi32, #tpu.memory_space<hbm>> -> memref<512xi32, #tpu.memory_space<hbm>>
    tpu.enqueue_dma source(%dma_start3A_8 : memref<512xi32, #tpu.memory_space<hbm>>) target(%arg7 : memref<512xi32, #tpu.memory_space<vmem>>) target_semaphore(%arg15 : memref<!tpu.dma_semaphore, #tpu.memory_space<semaphore_mem>>)
    %dma_start3A_9 = arith.constant 0 : i32
    %dma_start3A_10 = arith.constant 0 : i32
    %dma_start3A_11 = tpu.memref_slice %arg4[%arg1, %dma_start3A_9, %dma_start3A_10] : memref<16x160x64xi32, #tpu.memory_space<hbm>> -> memref<1x8x64xi32, #tpu.memory_space<hbm>>
    %dma_start3A_12 = tpu.memref_squeeze %dma_start3A_11 : memref<1x8x64xi32, #tpu.memory_space<hbm>> -> memref<8x64xi32, #tpu.memory_space<hbm>>
    %dma_start3A_13 = arith.constant 0 : i32
    %dma_start3A_14 = arith.constant 0 : i32
    %dma_start3A_15 = tpu.memref_slice %arg4[%arg1, %dma_start3A_13, %dma_start3A_14] : memref<16x160x64xi32, #tpu.memory_space<hbm>> -> memref<1x8x64xi32, #tpu.memory_space<hbm>>
    %dma_start3A_16 = tpu.memref_squeeze %dma_start3A_15 : memref<1x8x64xi32, #tpu.memory_space<hbm>> -> memref<8x64xi32, #tpu.memory_space<hbm>>
    tpu.enqueue_dma source(%dma_start3A_16 : memref<8x64xi32, #tpu.memory_space<hbm>>) target(%arg9 : memref<8x64xi32, #tpu.memory_space<vmem>>) target_semaphore(%arg15 : memref<!tpu.dma_semaphore, #tpu.memory_space<semaphore_mem>>)
    %dma_wait3A = arith.constant 0 : i32
    %dma_wait3A_17 = tpu.memref_slice %arg3[%arg0, %dma_wait3A] : memref<2x163840xi32, #tpu.memory_space<hbm>> -> memref<1x512xi32, #tpu.memory_space<hbm>>
    %dma_wait3A_18 = tpu.memref_squeeze %dma_wait3A_17 : memref<1x512xi32, #tpu.memory_space<hbm>> -> memref<512xi32, #tpu.memory_space<hbm>>
    %dma_wait3A_19 = arith.constant 0 : i32
    %dma_wait3A_20 = tpu.memref_slice %arg3[%arg0, %dma_wait3A_19] : memref<2x163840xi32, #tpu.memory_space<hbm>> -> memref<1x512xi32, #tpu.memory_space<hbm>>
    %dma_wait3A_21 = tpu.memref_squeeze %dma_wait3A_20 : memref<1x512xi32, #tpu.memory_space<hbm>> -> memref<512xi32, #tpu.memory_space<hbm>>
    tpu.wait_dma2 semaphore(%arg15 : memref<!tpu.dma_semaphore, #tpu.memory_space<semaphore_mem>>) src(%dma_wait3A_21 : memref<512xi32, #tpu.memory_space<hbm>>) dst(%arg7 : memref<512xi32, #tpu.memory_space<vmem>>)
    %dma_wait3A_22 = arith.constant 0 : i32
    %dma_wait3A_23 = arith.constant 0 : i32
    %dma_wait3A_24 = tpu.memref_slice %arg4[%arg1, %dma_wait3A_22, %dma_wait3A_23] : memref<16x160x64xi32, #tpu.memory_space<hbm>> -> memref<1x8x64xi32, #tpu.memory_space<hbm>>
    %dma_wait3A_25 = tpu.memref_squeeze %dma_wait3A_24 : memref<1x8x64xi32, #tpu.memory_space<hbm>> -> memref<8x64xi32, #tpu.memory_space<hbm>>
    %dma_wait3A_26 = arith.constant 0 : i32
    %dma_wait3A_27 = arith.constant 0 : i32
    %dma_wait3A_28 = tpu.memref_slice %arg4[%arg1, %dma_wait3A_26, %dma_wait3A_27] : memref<16x160x64xi32, #tpu.memory_space<hbm>> -> memref<1x8x64xi32, #tpu.memory_space<hbm>>
    %dma_wait3A_29 = tpu.memref_squeeze %dma_wait3A_28 : memref<1x8x64xi32, #tpu.memory_space<hbm>> -> memref<8x64xi32, #tpu.memory_space<hbm>>
    tpu.wait_dma2 semaphore(%arg15 : memref<!tpu.dma_semaphore, #tpu.memory_space<semaphore_mem>>) src(%dma_wait3A_29 : memref<8x64xi32, #tpu.memory_space<hbm>>) dst(%arg9 : memref<8x64xi32, #tpu.memory_space<vmem>>)
    %dma_start3A_30 = arith.constant 0 : i32
    %dma_start3A_31 = tpu.memref_slice %arg7[%dma_start3A_30] : memref<512xi32, #tpu.memory_space<vmem>> -> memref<64xi32, #tpu.memory_space<vmem>>
    %dma_start3A_32 = arith.constant 0 : i32
    %dma_start3A_33 = arith.constant 0 : i32
    %dma_start3A_34 = tpu.memref_slice %arg2[%dma_start3A_32, %dma_start3A_33] : memref<20480x128xf32, #tpu.memory_space<hbm>> -> memref<20480x128xf32, #tpu.memory_space<hbm>>
    tpu.enqueue_indirect_dma source(%dma_start3A_34 : memref<20480x128xf32, #tpu.memory_space<hbm>>) target(%arg11 : memref<64x128xf32, #tpu.memory_space<vmem>>) offsets(%dma_start3A_31 : memref<64xi32, #tpu.memory_space<vmem>>) semaphore(%arg16 : memref<!tpu.dma_semaphore, #tpu.memory_space<semaphore_mem>>)
    %dma_start3A_35 = arith.constant 64 : i32
    %dma_start3A_36 = tpu.memref_slice %arg7[%dma_start3A_35] : memref<512xi32, #tpu.memory_space<vmem>> -> memref<64xi32, #tpu.memory_space<vmem>>
    %dma_start3A_37 = arith.constant 0 : i32
    %dma_start3A_38 = arith.constant 0 : i32
    %dma_start3A_39 = tpu.memref_slice %arg2[%dma_start3A_37, %dma_start3A_38] : memref<20480x128xf32, #tpu.memory_space<hbm>> -> memref<20480x128xf32, #tpu.memory_space<hbm>>
    tpu.enqueue_indirect_dma source(%dma_start3A_39 : memref<20480x128xf32, #tpu.memory_space<hbm>>) target(%arg12 : memref<64x128xf32, #tpu.memory_space<vmem>>) offsets(%dma_start3A_36 : memref<64xi32, #tpu.memory_space<vmem>>) semaphore(%arg16 : memref<!tpu.dma_semaphore, #tpu.memory_space<semaphore_mem>>)
    %scan3A_40 = arith.constant 0 : i32
    %scan3A_41 = arith.constant 10 : i32
    %scan3A_42 = arith.addi %scan3A_40, %scan3A_41 : i32
    %scan3A_43 = arith.constant 1 : i32
    scf.for %scan3A_63 = %scan3A_40 to %scan3A_42 step %scan3A_43  : i32 {
      %mul3A_64 = arith.constant 2 : i32
      %mul3A_65 = arith.muli %mul3A_64, %scan3A_63 : i32
      %add3A_66 = arith.constant 0 : i32
      %add3A_67 = arith.addi %mul3A_65, %add3A_66 : i32
      %mul3A_68 = arith.constant 8 : i32
      %mul3A_69 = arith.muli %add3A_67, %mul3A_68 : i32
      %add3A_70 = arith.constant 0 : i32
      %add3A_71 = arith.addi %mul3A_69, %add3A_70 : i32
      %dma_wait3A_72 = arith.constant 0 : i32
      %dma_wait3A_73 = tpu.memref_slice %arg7[%dma_wait3A_72] : memref<512xi32, #tpu.memory_space<vmem>> -> memref<64xi32, #tpu.memory_space<vmem>>
      %dma_wait3A_74 = arith.constant 0 : i32
      %dma_wait3A_75 = arith.constant 0 : i32
      %dma_wait3A_76 = tpu.memref_slice %arg2[%dma_wait3A_74, %dma_wait3A_75] : memref<20480x128xf32, #tpu.memory_space<hbm>> -> memref<20480x128xf32, #tpu.memory_space<hbm>>
      tpu.wait_indirect_dma semaphore(%arg16 : memref<!tpu.dma_semaphore, #tpu.memory_space<semaphore_mem>>) src(%dma_wait3A_76 : memref<20480x128xf32, #tpu.memory_space<hbm>>) dst(%arg11 : memref<64x128xf32, #tpu.memory_space<vmem>>)
      %dma_start3A_77 = arith.constant 0 : i32
      %dma_start3A_78 = arith.constant 0 : i32
      %dma_start3A_79 = tpu.memref_slice %arg9[%dma_start3A_77, %dma_start3A_78] : memref<8x64xi32, #tpu.memory_space<vmem>> -> memref<1x64xi32, #tpu.memory_space<vmem>>
      %dma_start3A_80 = tpu.memref_squeeze %dma_start3A_79 : memref<1x64xi32, #tpu.memory_space<vmem>> -> memref<64xi32, #tpu.memory_space<vmem>>
      %dma_start3A_81 = arith.constant 0 : i32
      %dma_start3A_82 = arith.constant 0 : i32
      %dma_start3A_83 = tpu.memref_slice %arg17[%dma_start3A_81, %dma_start3A_82] : memref<10240x128xf32, #tpu.memory_space<vmem_shared>> -> memref<10240x128xf32, #tpu.memory_space<vmem_shared>>
      tpu.enqueue_indirect_dma source(%arg11 : memref<64x128xf32, #tpu.memory_space<vmem>>) target(%dma_start3A_83 : memref<10240x128xf32, #tpu.memory_space<vmem_shared>>) offsets(%dma_start3A_80 : memref<64xi32, #tpu.memory_space<vmem>>) semaphore(%arg18 : memref<!tpu.dma_semaphore, #tpu.memory_space<semaphore_mem>>) {add = true}
      %ge3A = arith.constant 2 : i32
      %ge3A_84 = arith.cmpi sge, %add3A_71, %ge3A : i32
      %convert_element_type3A = arith.extui %ge3A_84 : i1 to i32
      %cond3A = arith.constant 0 : i32
      %cond3A_85 = arith.cmpi ne, %convert_element_type3A, %cond3A : i32
      scf.if %cond3A_85 {
        %dma_wait3A_544 = arith.constant 0 : i32
        %dma_wait3A_545 = arith.constant 0 : i32
        %dma_wait3A_546 = tpu.memref_slice %arg9[%dma_wait3A_544, %dma_wait3A_545] : memref<8x64xi32, #tpu.memory_space<vmem>> -> memref<1x64xi32, #tpu.memory_space<vmem>>
        %dma_wait3A_547 = tpu.memref_squeeze %dma_wait3A_546 : memref<1x64xi32, #tpu.memory_space<vmem>> -> memref<64xi32, #tpu.memory_space<vmem>>
        %dma_wait3A_548 = arith.constant 0 : i32
        %dma_wait3A_549 = arith.constant 0 : i32
        %dma_wait3A_550 = tpu.memref_slice %arg17[%dma_wait3A_548, %dma_wait3A_549] : memref<10240x128xf32, #tpu.memory_space<vmem_shared>> -> memref<10240x128xf32, #tpu.memory_space<vmem_shared>>
        tpu.wait_indirect_dma semaphore(%arg18 : memref<!tpu.dma_semaphore, #tpu.memory_space<semaphore_mem>>) src(%arg11 : memref<64x128xf32, #tpu.memory_space<vmem>>) dst(%dma_wait3A_550 : memref<10240x128xf32, #tpu.memory_space<vmem_shared>>)
      } else {
      }
      %add3A_86 = arith.constant 2 : i32
      %add3A_87 = arith.addi %add3A_71, %add3A_86 : i32
      %lt3A = arith.constant 160 : i32
      %lt3A_88 = arith.cmpi slt, %add3A_87, %lt3A : i32
      %convert_element_type3A_89 = arith.extui %lt3A_88 : i1 to i32
      %cond3A_90 = arith.constant 0 : i32
      %cond3A_91 = arith.cmpi ne, %convert_element_type3A_89, %cond3A_90 : i32
      scf.if %cond3A_91 {
        %add3A_544 = arith.constant 2 : i32
        %add3A_545 = arith.addi %add3A_71, %add3A_544 : i32
        %dma_start3A_546 = arith.constant 128 : i32
        %dma_start3A_547 = tpu.memref_slice %arg7[%dma_start3A_546] : memref<512xi32, #tpu.memory_space<vmem>> -> memref<64xi32, #tpu.memory_space<vmem>>
        %dma_start3A_548 = arith.constant 0 : i32
        %dma_start3A_549 = arith.constant 0 : i32
        %dma_start3A_550 = tpu.memref_slice %arg2[%dma_start3A_548, %dma_start3A_549] : memref<20480x128xf32, #tpu.memory_space<hbm>> -> memref<20480x128xf32, #tpu.memory_space<hbm>>
        tpu.enqueue_indirect_dma source(%dma_start3A_550 : memref<20480x128xf32, #tpu.memory_space<hbm>>) target(%arg13 : memref<64x128xf32, #tpu.memory_space<vmem>>) offsets(%dma_start3A_547 : memref<64xi32, #tpu.memory_space<vmem>>) semaphore(%arg16 : memref<!tpu.dma_semaphore, #tpu.memory_space<semaphore_mem>>)
      } else {
      }
      %mul3A_92 = arith.constant 8 : i32
      %mul3A_93 = arith.muli %add3A_67, %mul3A_92 : i32
      %add3A_94 = arith.constant 1 : i32
      %add3A_95 = arith.addi %mul3A_93, %add3A_94 : i32
      %dma_wait3A_96 = arith.constant 0 : i32
      %dma_wait3A_97 = tpu.memref_slice %arg7[%dma_wait3A_96] : memref<512xi32, #tpu.memory_space<vmem>> -> memref<64xi32, #tpu.memory_space<vmem>>
      %dma_wait3A_98 = arith.constant 0 : i32
      %dma_wait3A_99 = arith.constant 0 : i32
      %dma_wait3A_100 = tpu.memref_slice %arg2[%dma_wait3A_98, %dma_wait3A_99] : memref<20480x128xf32, #tpu.memory_space<hbm>> -> memref<20480x128xf32, #tpu.memory_space<hbm>>
      tpu.wait_indirect_dma semaphore(%arg16 : memref<!tpu.dma_semaphore, #tpu.memory_space<semaphore_mem>>) src(%dma_wait3A_100 : memref<20480x128xf32, #tpu.memory_space<hbm>>) dst(%arg11 : memref<64x128xf32, #tpu.memory_space<vmem>>)
      %dma_start3A_101 = arith.constant 1 : i32
      %dma_start3A_102 = arith.constant 0 : i32
      %dma_start3A_103 = tpu.memref_slice %arg9[%dma_start3A_101, %dma_start3A_102] : memref<8x64xi32, #tpu.memory_space<vmem>> -> memref<1x64xi32, #tpu.memory_space<vmem>>
      %dma_start3A_104 = tpu.memref_squeeze %dma_start3A_103 : memref<1x64xi32, #tpu.memory_space<vmem>> -> memref<64xi32, #tpu.memory_space<vmem>>
      %dma_start3A_105 = arith.constant 0 : i32
      %dma_start3A_106 = arith.constant 0 : i32
      %dma_start3A_107 = tpu.memref_slice %arg17[%dma_start3A_105, %dma_start3A_106] : memref<10240x128xf32, #tpu.memory_space<vmem_shared>> -> memref<10240x128xf32, #tpu.memory_space<vmem_shared>>
      tpu.enqueue_indirect_dma source(%arg12 : memref<64x128xf32, #tpu.memory_space<vmem>>) target(%dma_start3A_107 : memref<10240x128xf32, #tpu.memory_space<vmem_shared>>) offsets(%dma_start3A_104 : memref<64xi32, #tpu.memory_space<vmem>>) semaphore(%arg18 : memref<!tpu.dma_semaphore, #tpu.memory_space<semaphore_mem>>) {add = true}
      %ge3A_108 = arith.constant 2 : i32
      %ge3A_109 = arith.cmpi sge, %add3A_95, %ge3A_108 : i32
      %convert_element_type3A_110 = arith.extui %ge3A_109 : i1 to i32
      %cond3A_111 = arith.constant 0 : i32
      %cond3A_112 = arith.cmpi ne, %convert_element_type3A_110, %cond3A_111 : i32
      scf.if %cond3A_112 {
        %dma_wait3A_544 = arith.constant 0 : i32
        %dma_wait3A_545 = arith.constant 0 : i32
        %dma_wait3A_546 = tpu.memref_slice %arg9[%dma_wait3A_544, %dma_wait3A_545] : memref<8x64xi32, #tpu.memory_space<vmem>> -> memref<1x64xi32, #tpu.memory_space<vmem>>
        %dma_wait3A_547 = tpu.memref_squeeze %dma_wait3A_546 : memref<1x64xi32, #tpu.memory_space<vmem>> -> memref<64xi32, #tpu.memory_space<vmem>>
        %dma_wait3A_548 = arith.constant 0 : i32
        %dma_wait3A_549 = arith.constant 0 : i32
        %dma_wait3A_550 = tpu.memref_slice %arg17[%dma_wait3A_548, %dma_wait3A_549] : memref<10240x128xf32, #tpu.memory_space<vmem_shared>> -> memref<10240x128xf32, #tpu.memory_space<vmem_shared>>
        tpu.wait_indirect_dma semaphore(%arg18 : memref<!tpu.dma_semaphore, #tpu.memory_space<semaphore_mem>>) src(%arg11 : memref<64x128xf32, #tpu.memory_space<vmem>>) dst(%dma_wait3A_550 : memref<10240x128xf32, #tpu.memory_space<vmem_shared>>)
      } else {
      }
      %add3A_113 = arith.constant 2 : i32
      %add3A_114 = arith.addi %add3A_95, %add3A_113 : i32
      %lt3A_115 = arith.constant 160 : i32
      %lt3A_116 = arith.cmpi slt, %add3A_114, %lt3A_115 : i32
      %convert_element_type3A_117 = arith.extui %lt3A_116 : i1 to i32
      %cond3A_118 = arith.constant 0 : i32
      %cond3A_119 = arith.cmpi ne, %convert_element_type3A_117, %cond3A_118 : i32
      scf.if %cond3A_119 {
        %add3A_544 = arith.constant 2 : i32
        %add3A_545 = arith.addi %add3A_95, %add3A_544 : i32
        %dma_start3A_546 = arith.constant 192 : i32
        %dma_start3A_547 = tpu.memref_slice %arg7[%dma_start3A_546] : memref<512xi32, #tpu.memory_space<vmem>> -> memref<64xi32, #tpu.memory_space<vmem>>
        %dma_start3A_548 = arith.constant 0 : i32
        %dma_start3A_549 = arith.constant 0 : i32
        %dma_start3A_550 = tpu.memref_slice %arg2[%dma_start3A_548, %dma_start3A_549] : memref<20480x128xf32, #tpu.memory_space<hbm>> -> memref<20480x128xf32, #tpu.memory_space<hbm>>
        tpu.enqueue_indirect_dma source(%dma_start3A_550 : memref<20480x128xf32, #tpu.memory_space<hbm>>) target(%arg14 : memref<64x128xf32, #tpu.memory_space<vmem>>) offsets(%dma_start3A_547 : memref<64xi32, #tpu.memory_space<vmem>>) semaphore(%arg16 : memref<!tpu.dma_semaphore, #tpu.memory_space<semaphore_mem>>)
      } else {
      }
      %mul3A_120 = arith.constant 8 : i32
      %mul3A_121 = arith.muli %add3A_67, %mul3A_120 : i32
      %add3A_122 = arith.constant 2 : i32
      %add3A_123 = arith.addi %mul3A_121, %add3A_122 : i32
      %dma_wait3A_124 = arith.constant 0 : i32
      %dma_wait3A_125 = tpu.memref_slice %arg7[%dma_wait3A_124] : memref<512xi32, #tpu.memory_space<vmem>> -> memref<64xi32, #tpu.memory_space<vmem>>
      %dma_wait3A_126 = arith.constant 0 : i32
      %dma_wait3A_127 = arith.constant 0 : i32
      %dma_wait3A_128 = tpu.memref_slice %arg2[%dma_wait3A_126, %dma_wait3A_127] : memref<20480x128xf32, #tpu.memory_space<hbm>> -> memref<20480x128xf32, #tpu.memory_space<hbm>>
      tpu.wait_indirect_dma semaphore(%arg16 : memref<!tpu.dma_semaphore, #tpu.memory_space<semaphore_mem>>) src(%dma_wait3A_128 : memref<20480x128xf32, #tpu.memory_space<hbm>>) dst(%arg11 : memref<64x128xf32, #tpu.memory_space<vmem>>)
      %dma_start3A_129 = arith.constant 2 : i32
      %dma_start3A_130 = arith.constant 0 : i32
      %dma_start3A_131 = tpu.memref_slice %arg9[%dma_start3A_129, %dma_start3A_130] : memref<8x64xi32, #tpu.memory_space<vmem>> -> memref<1x64xi32, #tpu.memory_space<vmem>>
      %dma_start3A_132 = tpu.memref_squeeze %dma_start3A_131 : memref<1x64xi32, #tpu.memory_space<vmem>> -> memref<64xi32, #tpu.memory_space<vmem>>
      %dma_start3A_133 = arith.constant 0 : i32
      %dma_start3A_134 = arith.constant 0 : i32
      %dma_start3A_135 = tpu.memref_slice %arg17[%dma_start3A_133, %dma_start3A_134] : memref<10240x128xf32, #tpu.memory_space<vmem_shared>> -> memref<10240x128xf32, #tpu.memory_space<vmem_shared>>
      tpu.enqueue_indirect_dma source(%arg13 : memref<64x128xf32, #tpu.memory_space<vmem>>) target(%dma_start3A_135 : memref<10240x128xf32, #tpu.memory_space<vmem_shared>>) offsets(%dma_start3A_132 : memref<64xi32, #tpu.memory_space<vmem>>) semaphore(%arg18 : memref<!tpu.dma_semaphore, #tpu.memory_space<semaphore_mem>>) {add = true}
      %ge3A_136 = arith.constant 2 : i32
      %ge3A_137 = arith.cmpi sge, %add3A_123, %ge3A_136 : i32
      %convert_element_type3A_138 = arith.extui %ge3A_137 : i1 to i32
      %cond3A_139 = arith.constant 0 : i32
      %cond3A_140 = arith.cmpi ne, %convert_element_type3A_138, %cond3A_139 : i32
      scf.if %cond3A_140 {
        %dma_wait3A_544 = arith.constant 0 : i32
        %dma_wait3A_545 = arith.constant 0 : i32
        %dma_wait3A_546 = tpu.memref_slice %arg9[%dma_wait3A_544, %dma_wait3A_545] : memref<8x64xi32, #tpu.memory_space<vmem>> -> memref<1x64xi32, #tpu.memory_space<vmem>>
        %dma_wait3A_547 = tpu.memref_squeeze %dma_wait3A_546 : memref<1x64xi32, #tpu.memory_space<vmem>> -> memref<64xi32, #tpu.memory_space<vmem>>
        %dma_wait3A_548 = arith.constant 0 : i32
        %dma_wait3A_549 = arith.constant 0 : i32
        %dma_wait3A_550 = tpu.memref_slice %arg17[%dma_wait3A_548, %dma_wait3A_549] : memref<10240x128xf32, #tpu.memory_space<vmem_shared>> -> memref<10240x128xf32, #tpu.memory_space<vmem_shared>>
        tpu.wait_indirect_dma semaphore(%arg18 : memref<!tpu.dma_semaphore, #tpu.memory_space<semaphore_mem>>) src(%arg11 : memref<64x128xf32, #tpu.memory_space<vmem>>) dst(%dma_wait3A_550 : memref<10240x128xf32, #tpu.memory_space<vmem_shared>>)
      } else {
      }
      %add3A_141 = arith.constant 1 : i32
      %add3A_142 = arith.addi %add3A_67, %add3A_141 : i32
      %lt3A_143 = arith.constant 20 : i32
      %lt3A_144 = arith.cmpi slt, %add3A_142, %lt3A_143 : i32
      %convert_element_type3A_145 = arith.extui %lt3A_144 : i1 to i32
      %cond3A_146 = arith.constant 0 : i32
      %cond3A_147 = arith.cmpi ne, %convert_element_type3A_145, %cond3A_146 : i32
      scf.if %cond3A_147 {
        %add3A_544 = arith.constant 1 : i32
        %add3A_545 = arith.addi %add3A_67, %add3A_544 : i32
        %mul3A_546 = arith.constant 10240 : i32
        %mul3A_547 = arith.muli %arg1, %mul3A_546 : i32
        %mul3A_548 = arith.constant 512 : i32
        %mul3A_549 = arith.muli %add3A_545, %mul3A_548 : i32
        %add3A_550 = arith.addi %mul3A_547, %mul3A_549 : i32
        %dma_start3A_551 = tpu.memref_slice %arg3[%arg0, %add3A_550] : memref<2x163840xi32, #tpu.memory_space<hbm>> -> memref<1x512xi32, #tpu.memory_space<hbm>>
        %dma_start3A_552 = tpu.memref_squeeze %dma_start3A_551 : memref<1x512xi32, #tpu.memory_space<hbm>> -> memref<512xi32, #tpu.memory_space<hbm>>
        %dma_start3A_553 = tpu.memref_slice %arg3[%arg0, %add3A_550] : memref<2x163840xi32, #tpu.memory_space<hbm>> -> memref<1x512xi32, #tpu.memory_space<hbm>>
        %dma_start3A_554 = tpu.memref_squeeze %dma_start3A_553 : memref<1x512xi32, #tpu.memory_space<hbm>> -> memref<512xi32, #tpu.memory_space<hbm>>
        tpu.enqueue_dma source(%dma_start3A_554 : memref<512xi32, #tpu.memory_space<hbm>>) target(%arg8 : memref<512xi32, #tpu.memory_space<vmem>>) target_semaphore(%arg15 : memref<!tpu.dma_semaphore, #tpu.memory_space<semaphore_mem>>)
        %mul3A_555 = arith.constant 8 : i32
        %mul3A_556 = arith.muli %add3A_545, %mul3A_555 : i32
        %dma_start3A_557 = arith.constant 0 : i32
        %dma_start3A_558 = tpu.memref_slice %arg4[%arg1, %mul3A_556, %dma_start3A_557] : memref<16x160x64xi32, #tpu.memory_space<hbm>> -> memref<1x8x64xi32, #tpu.memory_space<hbm>>
        %dma_start3A_559 = tpu.memref_squeeze %dma_start3A_558 : memref<1x8x64xi32, #tpu.memory_space<hbm>> -> memref<8x64xi32, #tpu.memory_space<hbm>>
        %dma_start3A_560 = arith.constant 0 : i32
        %dma_start3A_561 = tpu.memref_slice %arg4[%arg1, %mul3A_556, %dma_start3A_560] : memref<16x160x64xi32, #tpu.memory_space<hbm>> -> memref<1x8x64xi32, #tpu.memory_space<hbm>>
        %dma_start3A_562 = tpu.memref_squeeze %dma_start3A_561 : memref<1x8x64xi32, #tpu.memory_space<hbm>> -> memref<8x64xi32, #tpu.memory_space<hbm>>
        tpu.enqueue_dma source(%dma_start3A_562 : memref<8x64xi32, #tpu.memory_space<hbm>>) target(%arg10 : memref<8x64xi32, #tpu.memory_space<vmem>>) target_semaphore(%arg15 : memref<!tpu.dma_semaphore, #tpu.memory_space<semaphore_mem>>)
      } else {
      }
      %add3A_148 = arith.constant 2 : i32
      %add3A_149 = arith.addi %add3A_123, %add3A_148 : i32
      %lt3A_150 = arith.constant 160 : i32
      %lt3A_151 = arith.cmpi slt, %add3A_149, %lt3A_150 : i32
      %convert_element_type3A_152 = arith.extui %lt3A_151 : i1 to i32
      %cond3A_153 = arith.constant 0 : i32
      %cond3A_154 = arith.cmpi ne, %convert_element_type3A_152, %cond3A_153 : i32
      scf.if %cond3A_154 {
        %add3A_544 = arith.constant 2 : i32
        %add3A_545 = arith.addi %add3A_123, %add3A_544 : i32
        %dma_start3A_546 = arith.constant 256 : i32
        %dma_start3A_547 = tpu.memref_slice %arg7[%dma_start3A_546] : memref<512xi32, #tpu.memory_space<vmem>> -> memref<64xi32, #tpu.memory_space<vmem>>
        %dma_start3A_548 = arith.constant 0 : i32
        %dma_start3A_549 = arith.constant 0 : i32
        %dma_start3A_550 = tpu.memref_slice %arg2[%dma_start3A_548, %dma_start3A_549] : memref<20480x128xf32, #tpu.memory_space<hbm>> -> memref<20480x128xf32, #tpu.memory_space<hbm>>
        tpu.enqueue_indirect_dma source(%dma_start3A_550 : memref<20480x128xf32, #tpu.memory_space<hbm>>) target(%arg11 : memref<64x128xf32, #tpu.memory_space<vmem>>) offsets(%dma_start3A_547 : memref<64xi32, #tpu.memory_space<vmem>>) semaphore(%arg16 : memref<!tpu.dma_semaphore, #tpu.memory_space<semaphore_mem>>)
      } else {
      }
      %mul3A_155 = arith.constant 8 : i32
      %mul3A_156 = arith.muli %add3A_67, %mul3A_155 : i32
      %add3A_157 = arith.constant 3 : i32
      %add3A_158 = arith.addi %mul3A_156, %add3A_157 : i32
      %dma_wait3A_159 = arith.constant 0 : i32
      %dma_wait3A_160 = tpu.memref_slice %arg7[%dma_wait3A_159] : memref<512xi32, #tpu.memory_space<vmem>> -> memref<64xi32, #tpu.memory_space<vmem>>
      %dma_wait3A_161 = arith.constant 0 : i32
      %dma_wait3A_162 = arith.constant 0 : i32
      %dma_wait3A_163 = tpu.memref_slice %arg2[%dma_wait3A_161, %dma_wait3A_162] : memref<20480x128xf32, #tpu.memory_space<hbm>> -> memref<20480x128xf32, #tpu.memory_space<hbm>>
      tpu.wait_indirect_dma semaphore(%arg16 : memref<!tpu.dma_semaphore, #tpu.memory_space<semaphore_mem>>) src(%dma_wait3A_163 : memref<20480x128xf32, #tpu.memory_space<hbm>>) dst(%arg11 : memref<64x128xf32, #tpu.memory_space<vmem>>)
      %dma_start3A_164 = arith.constant 3 : i32
      %dma_start3A_165 = arith.constant 0 : i32
      %dma_start3A_166 = tpu.memref_slice %arg9[%dma_start3A_164, %dma_start3A_165] : memref<8x64xi32, #tpu.memory_space<vmem>> -> memref<1x64xi32, #tpu.memory_space<vmem>>
      %dma_start3A_167 = tpu.memref_squeeze %dma_start3A_166 : memref<1x64xi32, #tpu.memory_space<vmem>> -> memref<64xi32, #tpu.memory_space<vmem>>
      %dma_start3A_168 = arith.constant 0 : i32
      %dma_start3A_169 = arith.constant 0 : i32
      %dma_start3A_170 = tpu.memref_slice %arg17[%dma_start3A_168, %dma_start3A_169] : memref<10240x128xf32, #tpu.memory_space<vmem_shared>> -> memref<10240x128xf32, #tpu.memory_space<vmem_shared>>
      tpu.enqueue_indirect_dma source(%arg14 : memref<64x128xf32, #tpu.memory_space<vmem>>) target(%dma_start3A_170 : memref<10240x128xf32, #tpu.memory_space<vmem_shared>>) offsets(%dma_start3A_167 : memref<64xi32, #tpu.memory_space<vmem>>) semaphore(%arg18 : memref<!tpu.dma_semaphore, #tpu.memory_space<semaphore_mem>>) {add = true}
      %ge3A_171 = arith.constant 2 : i32
      %ge3A_172 = arith.cmpi sge, %add3A_158, %ge3A_171 : i32
      %convert_element_type3A_173 = arith.extui %ge3A_172 : i1 to i32
      %cond3A_174 = arith.constant 0 : i32
      %cond3A_175 = arith.cmpi ne, %convert_element_type3A_173, %cond3A_174 : i32
      scf.if %cond3A_175 {
        %dma_wait3A_544 = arith.constant 0 : i32
        %dma_wait3A_545 = arith.constant 0 : i32
        %dma_wait3A_546 = tpu.memref_slice %arg9[%dma_wait3A_544, %dma_wait3A_545] : memref<8x64xi32, #tpu.memory_space<vmem>> -> memref<1x64xi32, #tpu.memory_space<vmem>>
        %dma_wait3A_547 = tpu.memref_squeeze %dma_wait3A_546 : memref<1x64xi32, #tpu.memory_space<vmem>> -> memref<64xi32, #tpu.memory_space<vmem>>
        %dma_wait3A_548 = arith.constant 0 : i32
        %dma_wait3A_549 = arith.constant 0 : i32
        %dma_wait3A_550 = tpu.memref_slice %arg17[%dma_wait3A_548, %dma_wait3A_549] : memref<10240x128xf32, #tpu.memory_space<vmem_shared>> -> memref<10240x128xf32, #tpu.memory_space<vmem_shared>>
        tpu.wait_indirect_dma semaphore(%arg18 : memref<!tpu.dma_semaphore, #tpu.memory_space<semaphore_mem>>) src(%arg11 : memref<64x128xf32, #tpu.memory_space<vmem>>) dst(%dma_wait3A_550 : memref<10240x128xf32, #tpu.memory_space<vmem_shared>>)
      } else {
      }
      %add3A_176 = arith.constant 2 : i32
      %add3A_177 = arith.addi %add3A_158, %add3A_176 : i32
      %lt3A_178 = arith.constant 160 : i32
      %lt3A_179 = arith.cmpi slt, %add3A_177, %lt3A_178 : i32
      %convert_element_type3A_180 = arith.extui %lt3A_179 : i1 to i32
      %cond3A_181 = arith.constant 0 : i32
      %cond3A_182 = arith.cmpi ne, %convert_element_type3A_180, %cond3A_181 : i32
      scf.if %cond3A_182 {
        %add3A_544 = arith.constant 2 : i32
        %add3A_545 = arith.addi %add3A_158, %add3A_544 : i32
        %dma_start3A_546 = arith.constant 320 : i32
        %dma_start3A_547 = tpu.memref_slice %arg7[%dma_start3A_546] : memref<512xi32, #tpu.memory_space<vmem>> -> memref<64xi32, #tpu.memory_space<vmem>>
        %dma_start3A_548 = arith.constant 0 : i32
        %dma_start3A_549 = arith.constant 0 : i32
        %dma_start3A_550 = tpu.memref_slice %arg2[%dma_start3A_548, %dma_start3A_549] : memref<20480x128xf32, #tpu.memory_space<hbm>> -> memref<20480x128xf32, #tpu.memory_space<hbm>>
        tpu.enqueue_indirect_dma source(%dma_start3A_550 : memref<20480x128xf32, #tpu.memory_space<hbm>>) target(%arg12 : memref<64x128xf32, #tpu.memory_space<vmem>>) offsets(%dma_start3A_547 : memref<64xi32, #tpu.memory_space<vmem>>) semaphore(%arg16 : memref<!tpu.dma_semaphore, #tpu.memory_space<semaphore_mem>>)
      } else {
      }
      %mul3A_183 = arith.constant 8 : i32
      %mul3A_184 = arith.muli %add3A_67, %mul3A_183 : i32
      %add3A_185 = arith.constant 4 : i32
      %add3A_186 = arith.addi %mul3A_184, %add3A_185 : i32
      %dma_wait3A_187 = arith.constant 0 : i32
      %dma_wait3A_188 = tpu.memref_slice %arg7[%dma_wait3A_187] : memref<512xi32, #tpu.memory_space<vmem>> -> memref<64xi32, #tpu.memory_space<vmem>>
      %dma_wait3A_189 = arith.constant 0 : i32
      %dma_wait3A_190 = arith.constant 0 : i32
      %dma_wait3A_191 = tpu.memref_slice %arg2[%dma_wait3A_189, %dma_wait3A_190] : memref<20480x128xf32, #tpu.memory_space<hbm>> -> memref<20480x128xf32, #tpu.memory_space<hbm>>
      tpu.wait_indirect_dma semaphore(%arg16 : memref<!tpu.dma_semaphore, #tpu.memory_space<semaphore_mem>>) src(%dma_wait3A_191 : memref<20480x128xf32, #tpu.memory_space<hbm>>) dst(%arg11 : memref<64x128xf32, #tpu.memory_space<vmem>>)
      %dma_start3A_192 = arith.constant 4 : i32
      %dma_start3A_193 = arith.constant 0 : i32
      %dma_start3A_194 = tpu.memref_slice %arg9[%dma_start3A_192, %dma_start3A_193] : memref<8x64xi32, #tpu.memory_space<vmem>> -> memref<1x64xi32, #tpu.memory_space<vmem>>
      %dma_start3A_195 = tpu.memref_squeeze %dma_start3A_194 : memref<1x64xi32, #tpu.memory_space<vmem>> -> memref<64xi32, #tpu.memory_space<vmem>>
      %dma_start3A_196 = arith.constant 0 : i32
      %dma_start3A_197 = arith.constant 0 : i32
      %dma_start3A_198 = tpu.memref_slice %arg17[%dma_start3A_196, %dma_start3A_197] : memref<10240x128xf32, #tpu.memory_space<vmem_shared>> -> memref<10240x128xf32, #tpu.memory_space<vmem_shared>>
      tpu.enqueue_indirect_dma source(%arg11 : memref<64x128xf32, #tpu.memory_space<vmem>>) target(%dma_start3A_198 : memref<10240x128xf32, #tpu.memory_space<vmem_shared>>) offsets(%dma_start3A_195 : memref<64xi32, #tpu.memory_space<vmem>>) semaphore(%arg18 : memref<!tpu.dma_semaphore, #tpu.memory_space<semaphore_mem>>) {add = true}
      %ge3A_199 = arith.constant 2 : i32
      %ge3A_200 = arith.cmpi sge, %add3A_186, %ge3A_199 : i32
      %convert_element_type3A_201 = arith.extui %ge3A_200 : i1 to i32
      %cond3A_202 = arith.constant 0 : i32
      %cond3A_203 = arith.cmpi ne, %convert_element_type3A_201, %cond3A_202 : i32
      scf.if %cond3A_203 {
        %dma_wait3A_544 = arith.constant 0 : i32
        %dma_wait3A_545 = arith.constant 0 : i32
        %dma_wait3A_546 = tpu.memref_slice %arg9[%dma_wait3A_544, %dma_wait3A_545] : memref<8x64xi32, #tpu.memory_space<vmem>> -> memref<1x64xi32, #tpu.memory_space<vmem>>
        %dma_wait3A_547 = tpu.memref_squeeze %dma_wait3A_546 : memref<1x64xi32, #tpu.memory_space<vmem>> -> memref<64xi32, #tpu.memory_space<vmem>>
        %dma_wait3A_548 = arith.constant 0 : i32
        %dma_wait3A_549 = arith.constant 0 : i32
        %dma_wait3A_550 = tpu.memref_slice %arg17[%dma_wait3A_548, %dma_wait3A_549] : memref<10240x128xf32, #tpu.memory_space<vmem_shared>> -> memref<10240x128xf32, #tpu.memory_space<vmem_shared>>
        tpu.wait_indirect_dma semaphore(%arg18 : memref<!tpu.dma_semaphore, #tpu.memory_space<semaphore_mem>>) src(%arg11 : memref<64x128xf32, #tpu.memory_space<vmem>>) dst(%dma_wait3A_550 : memref<10240x128xf32, #tpu.memory_space<vmem_shared>>)
      } else {
      }
      %add3A_204 = arith.constant 2 : i32
      %add3A_205 = arith.addi %add3A_186, %add3A_204 : i32
      %lt3A_206 = arith.constant 160 : i32
      %lt3A_207 = arith.cmpi slt, %add3A_205, %lt3A_206 : i32
      %convert_element_type3A_208 = arith.extui %lt3A_207 : i1 to i32
      %cond3A_209 = arith.constant 0 : i32
      %cond3A_210 = arith.cmpi ne, %convert_element_type3A_208, %cond3A_209 : i32
      scf.if %cond3A_210 {
        %add3A_544 = arith.constant 2 : i32
        %add3A_545 = arith.addi %add3A_186, %add3A_544 : i32
        %dma_start3A_546 = arith.constant 384 : i32
        %dma_start3A_547 = tpu.memref_slice %arg7[%dma_start3A_546] : memref<512xi32, #tpu.memory_space<vmem>> -> memref<64xi32, #tpu.memory_space<vmem>>
        %dma_start3A_548 = arith.constant 0 : i32
        %dma_start3A_549 = arith.constant 0 : i32
        %dma_start3A_550 = tpu.memref_slice %arg2[%dma_start3A_548, %dma_start3A_549] : memref<20480x128xf32, #tpu.memory_space<hbm>> -> memref<20480x128xf32, #tpu.memory_space<hbm>>
        tpu.enqueue_indirect_dma source(%dma_start3A_550 : memref<20480x128xf32, #tpu.memory_space<hbm>>) target(%arg13 : memref<64x128xf32, #tpu.memory_space<vmem>>) offsets(%dma_start3A_547 : memref<64xi32, #tpu.memory_space<vmem>>) semaphore(%arg16 : memref<!tpu.dma_semaphore, #tpu.memory_space<semaphore_mem>>)
      } else {
      }
      %mul3A_211 = arith.constant 8 : i32
      %mul3A_212 = arith.muli %add3A_67, %mul3A_211 : i32
      %add3A_213 = arith.constant 5 : i32
      %add3A_214 = arith.addi %mul3A_212, %add3A_213 : i32
      %dma_wait3A_215 = arith.constant 0 : i32
      %dma_wait3A_216 = tpu.memref_slice %arg7[%dma_wait3A_215] : memref<512xi32, #tpu.memory_space<vmem>> -> memref<64xi32, #tpu.memory_space<vmem>>
      %dma_wait3A_217 = arith.constant 0 : i32
      %dma_wait3A_218 = arith.constant 0 : i32
      %dma_wait3A_219 = tpu.memref_slice %arg2[%dma_wait3A_217, %dma_wait3A_218] : memref<20480x128xf32, #tpu.memory_space<hbm>> -> memref<20480x128xf32, #tpu.memory_space<hbm>>
      tpu.wait_indirect_dma semaphore(%arg16 : memref<!tpu.dma_semaphore, #tpu.memory_space<semaphore_mem>>) src(%dma_wait3A_219 : memref<20480x128xf32, #tpu.memory_space<hbm>>) dst(%arg11 : memref<64x128xf32, #tpu.memory_space<vmem>>)
      %dma_start3A_220 = arith.constant 5 : i32
      %dma_start3A_221 = arith.constant 0 : i32
      %dma_start3A_222 = tpu.memref_slice %arg9[%dma_start3A_220, %dma_start3A_221] : memref<8x64xi32, #tpu.memory_space<vmem>> -> memref<1x64xi32, #tpu.memory_space<vmem>>
      %dma_start3A_223 = tpu.memref_squeeze %dma_start3A_222 : memref<1x64xi32, #tpu.memory_space<vmem>> -> memref<64xi32, #tpu.memory_space<vmem>>
      %dma_start3A_224 = arith.constant 0 : i32
      %dma_start3A_225 = arith.constant 0 : i32
      %dma_start3A_226 = tpu.memref_slice %arg17[%dma_start3A_224, %dma_start3A_225] : memref<10240x128xf32, #tpu.memory_space<vmem_shared>> -> memref<10240x128xf32, #tpu.memory_space<vmem_shared>>
      tpu.enqueue_indirect_dma source(%arg12 : memref<64x128xf32, #tpu.memory_space<vmem>>) target(%dma_start3A_226 : memref<10240x128xf32, #tpu.memory_space<vmem_shared>>) offsets(%dma_start3A_223 : memref<64xi32, #tpu.memory_space<vmem>>) semaphore(%arg18 : memref<!tpu.dma_semaphore, #tpu.memory_space<semaphore_mem>>) {add = true}
      %ge3A_227 = arith.constant 2 : i32
      %ge3A_228 = arith.cmpi sge, %add3A_214, %ge3A_227 : i32
      %convert_element_type3A_229 = arith.extui %ge3A_228 : i1 to i32
      %cond3A_230 = arith.constant 0 : i32
      %cond3A_231 = arith.cmpi ne, %convert_element_type3A_229, %cond3A_230 : i32
      scf.if %cond3A_231 {
        %dma_wait3A_544 = arith.constant 0 : i32
        %dma_wait3A_545 = arith.constant 0 : i32
        %dma_wait3A_546 = tpu.memref_slice %arg9[%dma_wait3A_544, %dma_wait3A_545] : memref<8x64xi32, #tpu.memory_space<vmem>> -> memref<1x64xi32, #tpu.memory_space<vmem>>
        %dma_wait3A_547 = tpu.memref_squeeze %dma_wait3A_546 : memref<1x64xi32, #tpu.memory_space<vmem>> -> memref<64xi32, #tpu.memory_space<vmem>>
        %dma_wait3A_548 = arith.constant 0 : i32
        %dma_wait3A_549 = arith.constant 0 : i32
        %dma_wait3A_550 = tpu.memref_slice %arg17[%dma_wait3A_548, %dma_wait3A_549] : memref<10240x128xf32, #tpu.memory_space<vmem_shared>> -> memref<10240x128xf32, #tpu.memory_space<vmem_shared>>
        tpu.wait_indirect_dma semaphore(%arg18 : memref<!tpu.dma_semaphore, #tpu.memory_space<semaphore_mem>>) src(%arg11 : memref<64x128xf32, #tpu.memory_space<vmem>>) dst(%dma_wait3A_550 : memref<10240x128xf32, #tpu.memory_space<vmem_shared>>)
      } else {
      }
      %add3A_232 = arith.constant 2 : i32
      %add3A_233 = arith.addi %add3A_214, %add3A_232 : i32
      %lt3A_234 = arith.constant 160 : i32
      %lt3A_235 = arith.cmpi slt, %add3A_233, %lt3A_234 : i32
      %convert_element_type3A_236 = arith.extui %lt3A_235 : i1 to i32
      %cond3A_237 = arith.constant 0 : i32
      %cond3A_238 = arith.cmpi ne, %convert_element_type3A_236, %cond3A_237 : i32
      scf.if %cond3A_238 {
        %add3A_544 = arith.constant 2 : i32
        %add3A_545 = arith.addi %add3A_214, %add3A_544 : i32
        %dma_start3A_546 = arith.constant 448 : i32
        %dma_start3A_547 = tpu.memref_slice %arg7[%dma_start3A_546] : memref<512xi32, #tpu.memory_space<vmem>> -> memref<64xi32, #tpu.memory_space<vmem>>
        %dma_start3A_548 = arith.constant 0 : i32
        %dma_start3A_549 = arith.constant 0 : i32
        %dma_start3A_550 = tpu.memref_slice %arg2[%dma_start3A_548, %dma_start3A_549] : memref<20480x128xf32, #tpu.memory_space<hbm>> -> memref<20480x128xf32, #tpu.memory_space<hbm>>
        tpu.enqueue_indirect_dma source(%dma_start3A_550 : memref<20480x128xf32, #tpu.memory_space<hbm>>) target(%arg14 : memref<64x128xf32, #tpu.memory_space<vmem>>) offsets(%dma_start3A_547 : memref<64xi32, #tpu.memory_space<vmem>>) semaphore(%arg16 : memref<!tpu.dma_semaphore, #tpu.memory_space<semaphore_mem>>)
      } else {
      }
      %mul3A_239 = arith.constant 8 : i32
      %mul3A_240 = arith.muli %add3A_67, %mul3A_239 : i32
      %add3A_241 = arith.constant 6 : i32
      %add3A_242 = arith.addi %mul3A_240, %add3A_241 : i32
      %dma_wait3A_243 = arith.constant 0 : i32
      %dma_wait3A_244 = tpu.memref_slice %arg7[%dma_wait3A_243] : memref<512xi32, #tpu.memory_space<vmem>> -> memref<64xi32, #tpu.memory_space<vmem>>
      %dma_wait3A_245 = arith.constant 0 : i32
      %dma_wait3A_246 = arith.constant 0 : i32
      %dma_wait3A_247 = tpu.memref_slice %arg2[%dma_wait3A_245, %dma_wait3A_246] : memref<20480x128xf32, #tpu.memory_space<hbm>> -> memref<20480x128xf32, #tpu.memory_space<hbm>>
      tpu.wait_indirect_dma semaphore(%arg16 : memref<!tpu.dma_semaphore, #tpu.memory_space<semaphore_mem>>) src(%dma_wait3A_247 : memref<20480x128xf32, #tpu.memory_space<hbm>>) dst(%arg11 : memref<64x128xf32, #tpu.memory_space<vmem>>)
      %dma_start3A_248 = arith.constant 6 : i32
      %dma_start3A_249 = arith.constant 0 : i32
      %dma_start3A_250 = tpu.memref_slice %arg9[%dma_start3A_248, %dma_start3A_249] : memref<8x64xi32, #tpu.memory_space<vmem>> -> memref<1x64xi32, #tpu.memory_space<vmem>>
      %dma_start3A_251 = tpu.memref_squeeze %dma_start3A_250 : memref<1x64xi32, #tpu.memory_space<vmem>> -> memref<64xi32, #tpu.memory_space<vmem>>
      %dma_start3A_252 = arith.constant 0 : i32
      %dma_start3A_253 = arith.constant 0 : i32
      %dma_start3A_254 = tpu.memref_slice %arg17[%dma_start3A_252, %dma_start3A_253] : memref<10240x128xf32, #tpu.memory_space<vmem_shared>> -> memref<10240x128xf32, #tpu.memory_space<vmem_shared>>
      tpu.enqueue_indirect_dma source(%arg13 : memref<64x128xf32, #tpu.memory_space<vmem>>) target(%dma_start3A_254 : memref<10240x128xf32, #tpu.memory_space<vmem_shared>>) offsets(%dma_start3A_251 : memref<64xi32, #tpu.memory_space<vmem>>) semaphore(%arg18 : memref<!tpu.dma_semaphore, #tpu.memory_space<semaphore_mem>>) {add = true}
      %ge3A_255 = arith.constant 2 : i32
      %ge3A_256 = arith.cmpi sge, %add3A_242, %ge3A_255 : i32
      %convert_element_type3A_257 = arith.extui %ge3A_256 : i1 to i32
      %cond3A_258 = arith.constant 0 : i32
      %cond3A_259 = arith.cmpi ne, %convert_element_type3A_257, %cond3A_258 : i32
      scf.if %cond3A_259 {
        %dma_wait3A_544 = arith.constant 0 : i32
        %dma_wait3A_545 = arith.constant 0 : i32
        %dma_wait3A_546 = tpu.memref_slice %arg9[%dma_wait3A_544, %dma_wait3A_545] : memref<8x64xi32, #tpu.memory_space<vmem>> -> memref<1x64xi32, #tpu.memory_space<vmem>>
        %dma_wait3A_547 = tpu.memref_squeeze %dma_wait3A_546 : memref<1x64xi32, #tpu.memory_space<vmem>> -> memref<64xi32, #tpu.memory_space<vmem>>
        %dma_wait3A_548 = arith.constant 0 : i32
        %dma_wait3A_549 = arith.constant 0 : i32
        %dma_wait3A_550 = tpu.memref_slice %arg17[%dma_wait3A_548, %dma_wait3A_549] : memref<10240x128xf32, #tpu.memory_space<vmem_shared>> -> memref<10240x128xf32, #tpu.memory_space<vmem_shared>>
        tpu.wait_indirect_dma semaphore(%arg18 : memref<!tpu.dma_semaphore, #tpu.memory_space<semaphore_mem>>) src(%arg11 : memref<64x128xf32, #tpu.memory_space<vmem>>) dst(%dma_wait3A_550 : memref<10240x128xf32, #tpu.memory_space<vmem_shared>>)
      } else {
      }
      %add3A_260 = arith.constant 1 : i32
      %add3A_261 = arith.addi %add3A_67, %add3A_260 : i32
      %lt3A_262 = arith.constant 20 : i32
      %lt3A_263 = arith.cmpi slt, %add3A_261, %lt3A_262 : i32
      %convert_element_type3A_264 = arith.extui %lt3A_263 : i1 to i32
      %cond3A_265 = arith.constant 0 : i32
      %cond3A_266 = arith.cmpi ne, %convert_element_type3A_264, %cond3A_265 : i32
      scf.if %cond3A_266 {
        %dma_wait3A_544 = arith.constant 0 : i32
        %dma_wait3A_545 = tpu.memref_slice %arg3[%arg0, %dma_wait3A_544] : memref<2x163840xi32, #tpu.memory_space<hbm>> -> memref<1x512xi32, #tpu.memory_space<hbm>>
        %dma_wait3A_546 = tpu.memref_squeeze %dma_wait3A_545 : memref<1x512xi32, #tpu.memory_space<hbm>> -> memref<512xi32, #tpu.memory_space<hbm>>
        %dma_wait3A_547 = arith.constant 0 : i32
        %dma_wait3A_548 = tpu.memref_slice %arg3[%arg0, %dma_wait3A_547] : memref<2x163840xi32, #tpu.memory_space<hbm>> -> memref<1x512xi32, #tpu.memory_space<hbm>>
        %dma_wait3A_549 = tpu.memref_squeeze %dma_wait3A_548 : memref<1x512xi32, #tpu.memory_space<hbm>> -> memref<512xi32, #tpu.memory_space<hbm>>
        tpu.wait_dma2 semaphore(%arg15 : memref<!tpu.dma_semaphore, #tpu.memory_space<semaphore_mem>>) src(%dma_wait3A_549 : memref<512xi32, #tpu.memory_space<hbm>>) dst(%arg7 : memref<512xi32, #tpu.memory_space<vmem>>)
        %dma_wait3A_550 = arith.constant 0 : i32
        %dma_wait3A_551 = arith.constant 0 : i32
        %dma_wait3A_552 = tpu.memref_slice %arg4[%arg1, %dma_wait3A_550, %dma_wait3A_551] : memref<16x160x64xi32, #tpu.memory_space<hbm>> -> memref<1x8x64xi32, #tpu.memory_space<hbm>>
        %dma_wait3A_553 = tpu.memref_squeeze %dma_wait3A_552 : memref<1x8x64xi32, #tpu.memory_space<hbm>> -> memref<8x64xi32, #tpu.memory_space<hbm>>
        %dma_wait3A_554 = arith.constant 0 : i32
        %dma_wait3A_555 = arith.constant 0 : i32
        %dma_wait3A_556 = tpu.memref_slice %arg4[%arg1, %dma_wait3A_554, %dma_wait3A_555] : memref<16x160x64xi32, #tpu.memory_space<hbm>> -> memref<1x8x64xi32, #tpu.memory_space<hbm>>
        %dma_wait3A_557 = tpu.memref_squeeze %dma_wait3A_556 : memref<1x8x64xi32, #tpu.memory_space<hbm>> -> memref<8x64xi32, #tpu.memory_space<hbm>>
        tpu.wait_dma2 semaphore(%arg15 : memref<!tpu.dma_semaphore, #tpu.memory_space<semaphore_mem>>) src(%dma_wait3A_557 : memref<8x64xi32, #tpu.memory_space<hbm>>) dst(%arg9 : memref<8x64xi32, #tpu.memory_space<vmem>>)
      } else {
      }
      %add3A_267 = arith.constant 2 : i32
      %add3A_268 = arith.addi %add3A_242, %add3A_267 : i32
      %lt3A_269 = arith.constant 160 : i32
      %lt3A_270 = arith.cmpi slt, %add3A_268, %lt3A_269 : i32
      %convert_element_type3A_271 = arith.extui %lt3A_270 : i1 to i32
      %cond3A_272 = arith.constant 0 : i32
      %cond3A_273 = arith.cmpi ne, %convert_element_type3A_271, %cond3A_272 : i32
      scf.if %cond3A_273 {
        %add3A_544 = arith.constant 2 : i32
        %add3A_545 = arith.addi %add3A_242, %add3A_544 : i32
        %dma_start3A_546 = arith.constant 0 : i32
        %dma_start3A_547 = tpu.memref_slice %arg8[%dma_start3A_546] : memref<512xi32, #tpu.memory_space<vmem>> -> memref<64xi32, #tpu.memory_space<vmem>>
        %dma_start3A_548 = arith.constant 0 : i32
        %dma_start3A_549 = arith.constant 0 : i32
        %dma_start3A_550 = tpu.memref_slice %arg2[%dma_start3A_548, %dma_start3A_549] : memref<20480x128xf32, #tpu.memory_space<hbm>> -> memref<20480x128xf32, #tpu.memory_space<hbm>>
        tpu.enqueue_indirect_dma source(%dma_start3A_550 : memref<20480x128xf32, #tpu.memory_space<hbm>>) target(%arg11 : memref<64x128xf32, #tpu.memory_space<vmem>>) offsets(%dma_start3A_547 : memref<64xi32, #tpu.memory_space<vmem>>) semaphore(%arg16 : memref<!tpu.dma_semaphore, #tpu.memory_space<semaphore_mem>>)
      } else {
      }
      %mul3A_274 = arith.constant 8 : i32
      %mul3A_275 = arith.muli %add3A_67, %mul3A_274 : i32
      %add3A_276 = arith.constant 7 : i32
      %add3A_277 = arith.addi %mul3A_275, %add3A_276 : i32
      %dma_wait3A_278 = arith.constant 0 : i32
      %dma_wait3A_279 = tpu.memref_slice %arg7[%dma_wait3A_278] : memref<512xi32, #tpu.memory_space<vmem>> -> memref<64xi32, #tpu.memory_space<vmem>>
      %dma_wait3A_280 = arith.constant 0 : i32
      %dma_wait3A_281 = arith.constant 0 : i32
      %dma_wait3A_282 = tpu.memref_slice %arg2[%dma_wait3A_280, %dma_wait3A_281] : memref<20480x128xf32, #tpu.memory_space<hbm>> -> memref<20480x128xf32, #tpu.memory_space<hbm>>
      tpu.wait_indirect_dma semaphore(%arg16 : memref<!tpu.dma_semaphore, #tpu.memory_space<semaphore_mem>>) src(%dma_wait3A_282 : memref<20480x128xf32, #tpu.memory_space<hbm>>) dst(%arg11 : memref<64x128xf32, #tpu.memory_space<vmem>>)
      %dma_start3A_283 = arith.constant 7 : i32
      %dma_start3A_284 = arith.constant 0 : i32
      %dma_start3A_285 = tpu.memref_slice %arg9[%dma_start3A_283, %dma_start3A_284] : memref<8x64xi32, #tpu.memory_space<vmem>> -> memref<1x64xi32, #tpu.memory_space<vmem>>
      %dma_start3A_286 = tpu.memref_squeeze %dma_start3A_285 : memref<1x64xi32, #tpu.memory_space<vmem>> -> memref<64xi32, #tpu.memory_space<vmem>>
      %dma_start3A_287 = arith.constant 0 : i32
      %dma_start3A_288 = arith.constant 0 : i32
      %dma_start3A_289 = tpu.memref_slice %arg17[%dma_start3A_287, %dma_start3A_288] : memref<10240x128xf32, #tpu.memory_space<vmem_shared>> -> memref<10240x128xf32, #tpu.memory_space<vmem_shared>>
      tpu.enqueue_indirect_dma source(%arg14 : memref<64x128xf32, #tpu.memory_space<vmem>>) target(%dma_start3A_289 : memref<10240x128xf32, #tpu.memory_space<vmem_shared>>) offsets(%dma_start3A_286 : memref<64xi32, #tpu.memory_space<vmem>>) semaphore(%arg18 : memref<!tpu.dma_semaphore, #tpu.memory_space<semaphore_mem>>) {add = true}
      %ge3A_290 = arith.constant 2 : i32
      %ge3A_291 = arith.cmpi sge, %add3A_277, %ge3A_290 : i32
      %convert_element_type3A_292 = arith.extui %ge3A_291 : i1 to i32
      %cond3A_293 = arith.constant 0 : i32
      %cond3A_294 = arith.cmpi ne, %convert_element_type3A_292, %cond3A_293 : i32
      scf.if %cond3A_294 {
        %dma_wait3A_544 = arith.constant 0 : i32
        %dma_wait3A_545 = arith.constant 0 : i32
        %dma_wait3A_546 = tpu.memref_slice %arg9[%dma_wait3A_544, %dma_wait3A_545] : memref<8x64xi32, #tpu.memory_space<vmem>> -> memref<1x64xi32, #tpu.memory_space<vmem>>
        %dma_wait3A_547 = tpu.memref_squeeze %dma_wait3A_546 : memref<1x64xi32, #tpu.memory_space<vmem>> -> memref<64xi32, #tpu.memory_space<vmem>>
        %dma_wait3A_548 = arith.constant 0 : i32
        %dma_wait3A_549 = arith.constant 0 : i32
        %dma_wait3A_550 = tpu.memref_slice %arg17[%dma_wait3A_548, %dma_wait3A_549] : memref<10240x128xf32, #tpu.memory_space<vmem_shared>> -> memref<10240x128xf32, #tpu.memory_space<vmem_shared>>
        tpu.wait_indirect_dma semaphore(%arg18 : memref<!tpu.dma_semaphore, #tpu.memory_space<semaphore_mem>>) src(%arg11 : memref<64x128xf32, #tpu.memory_space<vmem>>) dst(%dma_wait3A_550 : memref<10240x128xf32, #tpu.memory_space<vmem_shared>>)
      } else {
      }
      %add3A_295 = arith.constant 2 : i32
      %add3A_296 = arith.addi %add3A_277, %add3A_295 : i32
      %lt3A_297 = arith.constant 160 : i32
      %lt3A_298 = arith.cmpi slt, %add3A_296, %lt3A_297 : i32
      %convert_element_type3A_299 = arith.extui %lt3A_298 : i1 to i32
      %cond3A_300 = arith.constant 0 : i32
      %cond3A_301 = arith.cmpi ne, %convert_element_type3A_299, %cond3A_300 : i32
      scf.if %cond3A_301 {
        %add3A_544 = arith.constant 2 : i32
        %add3A_545 = arith.addi %add3A_277, %add3A_544 : i32
        %dma_start3A_546 = arith.constant 64 : i32
        %dma_start3A_547 = tpu.memref_slice %arg8[%dma_start3A_546] : memref<512xi32, #tpu.memory_space<vmem>> -> memref<64xi32, #tpu.memory_space<vmem>>
        %dma_start3A_548 = arith.constant 0 : i32
        %dma_start3A_549 = arith.constant 0 : i32
        %dma_start3A_550 = tpu.memref_slice %arg2[%dma_start3A_548, %dma_start3A_549] : memref<20480x128xf32, #tpu.memory_space<hbm>> -> memref<20480x128xf32, #tpu.memory_space<hbm>>
        tpu.enqueue_indirect_dma source(%dma_start3A_550 : memref<20480x128xf32, #tpu.memory_space<hbm>>) target(%arg12 : memref<64x128xf32, #tpu.memory_space<vmem>>) offsets(%dma_start3A_547 : memref<64xi32, #tpu.memory_space<vmem>>) semaphore(%arg16 : memref<!tpu.dma_semaphore, #tpu.memory_space<semaphore_mem>>)
      } else {
      }
      %mul3A_302 = arith.constant 2 : i32
      %mul3A_303 = arith.muli %mul3A_302, %scan3A_63 : i32
      %add3A_304 = arith.constant 1 : i32
      %add3A_305 = arith.addi %mul3A_303, %add3A_304 : i32
      %mul3A_306 = arith.constant 8 : i32
      %mul3A_307 = arith.muli %add3A_305, %mul3A_306 : i32
      %add3A_308 = arith.constant 0 : i32
      %add3A_309 = arith.addi %mul3A_307, %add3A_308 : i32
      %dma_wait3A_310 = arith.constant 0 : i32
      %dma_wait3A_311 = tpu.memref_slice %arg7[%dma_wait3A_310] : memref<512xi32, #tpu.memory_space<vmem>> -> memref<64xi32, #tpu.memory_space<vmem>>
      %dma_wait3A_312 = arith.constant 0 : i32
      %dma_wait3A_313 = arith.constant 0 : i32
      %dma_wait3A_314 = tpu.memref_slice %arg2[%dma_wait3A_312, %dma_wait3A_313] : memref<20480x128xf32, #tpu.memory_space<hbm>> -> memref<20480x128xf32, #tpu.memory_space<hbm>>
      tpu.wait_indirect_dma semaphore(%arg16 : memref<!tpu.dma_semaphore, #tpu.memory_space<semaphore_mem>>) src(%dma_wait3A_314 : memref<20480x128xf32, #tpu.memory_space<hbm>>) dst(%arg11 : memref<64x128xf32, #tpu.memory_space<vmem>>)
      %dma_start3A_315 = arith.constant 0 : i32
      %dma_start3A_316 = arith.constant 0 : i32
      %dma_start3A_317 = tpu.memref_slice %arg10[%dma_start3A_315, %dma_start3A_316] : memref<8x64xi32, #tpu.memory_space<vmem>> -> memref<1x64xi32, #tpu.memory_space<vmem>>
      %dma_start3A_318 = tpu.memref_squeeze %dma_start3A_317 : memref<1x64xi32, #tpu.memory_space<vmem>> -> memref<64xi32, #tpu.memory_space<vmem>>
      %dma_start3A_319 = arith.constant 0 : i32
      %dma_start3A_320 = arith.constant 0 : i32
      %dma_start3A_321 = tpu.memref_slice %arg17[%dma_start3A_319, %dma_start3A_320] : memref<10240x128xf32, #tpu.memory_space<vmem_shared>> -> memref<10240x128xf32, #tpu.memory_space<vmem_shared>>
      tpu.enqueue_indirect_dma source(%arg11 : memref<64x128xf32, #tpu.memory_space<vmem>>) target(%dma_start3A_321 : memref<10240x128xf32, #tpu.memory_space<vmem_shared>>) offsets(%dma_start3A_318 : memref<64xi32, #tpu.memory_space<vmem>>) semaphore(%arg18 : memref<!tpu.dma_semaphore, #tpu.memory_space<semaphore_mem>>) {add = true}
      %ge3A_322 = arith.constant 2 : i32
      %ge3A_323 = arith.cmpi sge, %add3A_309, %ge3A_322 : i32
      %convert_element_type3A_324 = arith.extui %ge3A_323 : i1 to i32
      %cond3A_325 = arith.constant 0 : i32
      %cond3A_326 = arith.cmpi ne, %convert_element_type3A_324, %cond3A_325 : i32
      scf.if %cond3A_326 {
        %dma_wait3A_544 = arith.constant 0 : i32
        %dma_wait3A_545 = arith.constant 0 : i32
        %dma_wait3A_546 = tpu.memref_slice %arg9[%dma_wait3A_544, %dma_wait3A_545] : memref<8x64xi32, #tpu.memory_space<vmem>> -> memref<1x64xi32, #tpu.memory_space<vmem>>
        %dma_wait3A_547 = tpu.memref_squeeze %dma_wait3A_546 : memref<1x64xi32, #tpu.memory_space<vmem>> -> memref<64xi32, #tpu.memory_space<vmem>>
        %dma_wait3A_548 = arith.constant 0 : i32
        %dma_wait3A_549 = arith.constant 0 : i32
        %dma_wait3A_550 = tpu.memref_slice %arg17[%dma_wait3A_548, %dma_wait3A_549] : memref<10240x128xf32, #tpu.memory_space<vmem_shared>> -> memref<10240x128xf32, #tpu.memory_space<vmem_shared>>
        tpu.wait_indirect_dma semaphore(%arg18 : memref<!tpu.dma_semaphore, #tpu.memory_space<semaphore_mem>>) src(%arg11 : memref<64x128xf32, #tpu.memory_space<vmem>>) dst(%dma_wait3A_550 : memref<10240x128xf32, #tpu.memory_space<vmem_shared>>)
      } else {
      }
      %add3A_327 = arith.constant 2 : i32
      %add3A_328 = arith.addi %add3A_309, %add3A_327 : i32
      %lt3A_329 = arith.constant 160 : i32
      %lt3A_330 = arith.cmpi slt, %add3A_328, %lt3A_329 : i32
      %convert_element_type3A_331 = arith.extui %lt3A_330 : i1 to i32
      %cond3A_332 = arith.constant 0 : i32
      %cond3A_333 = arith.cmpi ne, %convert_element_type3A_331, %cond3A_332 : i32
      scf.if %cond3A_333 {
        %add3A_544 = arith.constant 2 : i32
        %add3A_545 = arith.addi %add3A_309, %add3A_544 : i32
        %dma_start3A_546 = arith.constant 128 : i32
        %dma_start3A_547 = tpu.memref_slice %arg8[%dma_start3A_546] : memref<512xi32, #tpu.memory_space<vmem>> -> memref<64xi32, #tpu.memory_space<vmem>>
        %dma_start3A_548 = arith.constant 0 : i32
        %dma_start3A_549 = arith.constant 0 : i32
        %dma_start3A_550 = tpu.memref_slice %arg2[%dma_start3A_548, %dma_start3A_549] : memref<20480x128xf32, #tpu.memory_space<hbm>> -> memref<20480x128xf32, #tpu.memory_space<hbm>>
        tpu.enqueue_indirect_dma source(%dma_start3A_550 : memref<20480x128xf32, #tpu.memory_space<hbm>>) target(%arg13 : memref<64x128xf32, #tpu.memory_space<vmem>>) offsets(%dma_start3A_547 : memref<64xi32, #tpu.memory_space<vmem>>) semaphore(%arg16 : memref<!tpu.dma_semaphore, #tpu.memory_space<semaphore_mem>>)
      } else {
      }
      %mul3A_334 = arith.constant 8 : i32
      %mul3A_335 = arith.muli %add3A_305, %mul3A_334 : i32
      %add3A_336 = arith.constant 1 : i32
      %add3A_337 = arith.addi %mul3A_335, %add3A_336 : i32
      %dma_wait3A_338 = arith.constant 0 : i32
      %dma_wait3A_339 = tpu.memref_slice %arg7[%dma_wait3A_338] : memref<512xi32, #tpu.memory_space<vmem>> -> memref<64xi32, #tpu.memory_space<vmem>>
      %dma_wait3A_340 = arith.constant 0 : i32
      %dma_wait3A_341 = arith.constant 0 : i32
      %dma_wait3A_342 = tpu.memref_slice %arg2[%dma_wait3A_340, %dma_wait3A_341] : memref<20480x128xf32, #tpu.memory_space<hbm>> -> memref<20480x128xf32, #tpu.memory_space<hbm>>
      tpu.wait_indirect_dma semaphore(%arg16 : memref<!tpu.dma_semaphore, #tpu.memory_space<semaphore_mem>>) src(%dma_wait3A_342 : memref<20480x128xf32, #tpu.memory_space<hbm>>) dst(%arg11 : memref<64x128xf32, #tpu.memory_space<vmem>>)
      %dma_start3A_343 = arith.constant 1 : i32
      %dma_start3A_344 = arith.constant 0 : i32
      %dma_start3A_345 = tpu.memref_slice %arg10[%dma_start3A_343, %dma_start3A_344] : memref<8x64xi32, #tpu.memory_space<vmem>> -> memref<1x64xi32, #tpu.memory_space<vmem>>
      %dma_start3A_346 = tpu.memref_squeeze %dma_start3A_345 : memref<1x64xi32, #tpu.memory_space<vmem>> -> memref<64xi32, #tpu.memory_space<vmem>>
      %dma_start3A_347 = arith.constant 0 : i32
      %dma_start3A_348 = arith.constant 0 : i32
      %dma_start3A_349 = tpu.memref_slice %arg17[%dma_start3A_347, %dma_start3A_348] : memref<10240x128xf32, #tpu.memory_space<vmem_shared>> -> memref<10240x128xf32, #tpu.memory_space<vmem_shared>>
      tpu.enqueue_indirect_dma source(%arg12 : memref<64x128xf32, #tpu.memory_space<vmem>>) target(%dma_start3A_349 : memref<10240x128xf32, #tpu.memory_space<vmem_shared>>) offsets(%dma_start3A_346 : memref<64xi32, #tpu.memory_space<vmem>>) semaphore(%arg18 : memref<!tpu.dma_semaphore, #tpu.memory_space<semaphore_mem>>) {add = true}
      %ge3A_350 = arith.constant 2 : i32
      %ge3A_351 = arith.cmpi sge, %add3A_337, %ge3A_350 : i32
      %convert_element_type3A_352 = arith.extui %ge3A_351 : i1 to i32
      %cond3A_353 = arith.constant 0 : i32
      %cond3A_354 = arith.cmpi ne, %convert_element_type3A_352, %cond3A_353 : i32
      scf.if %cond3A_354 {
        %dma_wait3A_544 = arith.constant 0 : i32
        %dma_wait3A_545 = arith.constant 0 : i32
        %dma_wait3A_546 = tpu.memref_slice %arg9[%dma_wait3A_544, %dma_wait3A_545] : memref<8x64xi32, #tpu.memory_space<vmem>> -> memref<1x64xi32, #tpu.memory_space<vmem>>
        %dma_wait3A_547 = tpu.memref_squeeze %dma_wait3A_546 : memref<1x64xi32, #tpu.memory_space<vmem>> -> memref<64xi32, #tpu.memory_space<vmem>>
        %dma_wait3A_548 = arith.constant 0 : i32
        %dma_wait3A_549 = arith.constant 0 : i32
        %dma_wait3A_550 = tpu.memref_slice %arg17[%dma_wait3A_548, %dma_wait3A_549] : memref<10240x128xf32, #tpu.memory_space<vmem_shared>> -> memref<10240x128xf32, #tpu.memory_space<vmem_shared>>
        tpu.wait_indirect_dma semaphore(%arg18 : memref<!tpu.dma_semaphore, #tpu.memory_space<semaphore_mem>>) src(%arg11 : memref<64x128xf32, #tpu.memory_space<vmem>>) dst(%dma_wait3A_550 : memref<10240x128xf32, #tpu.memory_space<vmem_shared>>)
      } else {
      }
      %add3A_355 = arith.constant 2 : i32
      %add3A_356 = arith.addi %add3A_337, %add3A_355 : i32
      %lt3A_357 = arith.constant 160 : i32
      %lt3A_358 = arith.cmpi slt, %add3A_356, %lt3A_357 : i32
      %convert_element_type3A_359 = arith.extui %lt3A_358 : i1 to i32
      %cond3A_360 = arith.constant 0 : i32
      %cond3A_361 = arith.cmpi ne, %convert_element_type3A_359, %cond3A_360 : i32
      scf.if %cond3A_361 {
        %add3A_544 = arith.constant 2 : i32
        %add3A_545 = arith.addi %add3A_337, %add3A_544 : i32
        %dma_start3A_546 = arith.constant 192 : i32
        %dma_start3A_547 = tpu.memref_slice %arg8[%dma_start3A_546] : memref<512xi32, #tpu.memory_space<vmem>> -> memref<64xi32, #tpu.memory_space<vmem>>
        %dma_start3A_548 = arith.constant 0 : i32
        %dma_start3A_549 = arith.constant 0 : i32
        %dma_start3A_550 = tpu.memref_slice %arg2[%dma_start3A_548, %dma_start3A_549] : memref<20480x128xf32, #tpu.memory_space<hbm>> -> memref<20480x128xf32, #tpu.memory_space<hbm>>
        tpu.enqueue_indirect_dma source(%dma_start3A_550 : memref<20480x128xf32, #tpu.memory_space<hbm>>) target(%arg14 : memref<64x128xf32, #tpu.memory_space<vmem>>) offsets(%dma_start3A_547 : memref<64xi32, #tpu.memory_space<vmem>>) semaphore(%arg16 : memref<!tpu.dma_semaphore, #tpu.memory_space<semaphore_mem>>)
      } else {
      }
      %mul3A_362 = arith.constant 8 : i32
      %mul3A_363 = arith.muli %add3A_305, %mul3A_362 : i32
      %add3A_364 = arith.constant 2 : i32
      %add3A_365 = arith.addi %mul3A_363, %add3A_364 : i32
      %dma_wait3A_366 = arith.constant 0 : i32
      %dma_wait3A_367 = tpu.memref_slice %arg7[%dma_wait3A_366] : memref<512xi32, #tpu.memory_space<vmem>> -> memref<64xi32, #tpu.memory_space<vmem>>
      %dma_wait3A_368 = arith.constant 0 : i32
      %dma_wait3A_369 = arith.constant 0 : i32
      %dma_wait3A_370 = tpu.memref_slice %arg2[%dma_wait3A_368, %dma_wait3A_369] : memref<20480x128xf32, #tpu.memory_space<hbm>> -> memref<20480x128xf32, #tpu.memory_space<hbm>>
      tpu.wait_indirect_dma semaphore(%arg16 : memref<!tpu.dma_semaphore, #tpu.memory_space<semaphore_mem>>) src(%dma_wait3A_370 : memref<20480x128xf32, #tpu.memory_space<hbm>>) dst(%arg11 : memref<64x128xf32, #tpu.memory_space<vmem>>)
      %dma_start3A_371 = arith.constant 2 : i32
      %dma_start3A_372 = arith.constant 0 : i32
      %dma_start3A_373 = tpu.memref_slice %arg10[%dma_start3A_371, %dma_start3A_372] : memref<8x64xi32, #tpu.memory_space<vmem>> -> memref<1x64xi32, #tpu.memory_space<vmem>>
      %dma_start3A_374 = tpu.memref_squeeze %dma_start3A_373 : memref<1x64xi32, #tpu.memory_space<vmem>> -> memref<64xi32, #tpu.memory_space<vmem>>
      %dma_start3A_375 = arith.constant 0 : i32
      %dma_start3A_376 = arith.constant 0 : i32
      %dma_start3A_377 = tpu.memref_slice %arg17[%dma_start3A_375, %dma_start3A_376] : memref<10240x128xf32, #tpu.memory_space<vmem_shared>> -> memref<10240x128xf32, #tpu.memory_space<vmem_shared>>
      tpu.enqueue_indirect_dma source(%arg13 : memref<64x128xf32, #tpu.memory_space<vmem>>) target(%dma_start3A_377 : memref<10240x128xf32, #tpu.memory_space<vmem_shared>>) offsets(%dma_start3A_374 : memref<64xi32, #tpu.memory_space<vmem>>) semaphore(%arg18 : memref<!tpu.dma_semaphore, #tpu.memory_space<semaphore_mem>>) {add = true}
      %ge3A_378 = arith.constant 2 : i32
      %ge3A_379 = arith.cmpi sge, %add3A_365, %ge3A_378 : i32
      %convert_element_type3A_380 = arith.extui %ge3A_379 : i1 to i32
      %cond3A_381 = arith.constant 0 : i32
      %cond3A_382 = arith.cmpi ne, %convert_element_type3A_380, %cond3A_381 : i32
      scf.if %cond3A_382 {
        %dma_wait3A_544 = arith.constant 0 : i32
        %dma_wait3A_545 = arith.constant 0 : i32
        %dma_wait3A_546 = tpu.memref_slice %arg9[%dma_wait3A_544, %dma_wait3A_545] : memref<8x64xi32, #tpu.memory_space<vmem>> -> memref<1x64xi32, #tpu.memory_space<vmem>>
        %dma_wait3A_547 = tpu.memref_squeeze %dma_wait3A_546 : memref<1x64xi32, #tpu.memory_space<vmem>> -> memref<64xi32, #tpu.memory_space<vmem>>
        %dma_wait3A_548 = arith.constant 0 : i32
        %dma_wait3A_549 = arith.constant 0 : i32
        %dma_wait3A_550 = tpu.memref_slice %arg17[%dma_wait3A_548, %dma_wait3A_549] : memref<10240x128xf32, #tpu.memory_space<vmem_shared>> -> memref<10240x128xf32, #tpu.memory_space<vmem_shared>>
        tpu.wait_indirect_dma semaphore(%arg18 : memref<!tpu.dma_semaphore, #tpu.memory_space<semaphore_mem>>) src(%arg11 : memref<64x128xf32, #tpu.memory_space<vmem>>) dst(%dma_wait3A_550 : memref<10240x128xf32, #tpu.memory_space<vmem_shared>>)
      } else {
      }
      %add3A_383 = arith.constant 1 : i32
      %add3A_384 = arith.addi %add3A_305, %add3A_383 : i32
      %lt3A_385 = arith.constant 20 : i32
      %lt3A_386 = arith.cmpi slt, %add3A_384, %lt3A_385 : i32
      %convert_element_type3A_387 = arith.extui %lt3A_386 : i1 to i32
      %cond3A_388 = arith.constant 0 : i32
      %cond3A_389 = arith.cmpi ne, %convert_element_type3A_387, %cond3A_388 : i32
      scf.if %cond3A_389 {
        %add3A_544 = arith.constant 1 : i32
        %add3A_545 = arith.addi %add3A_305, %add3A_544 : i32
        %mul3A_546 = arith.constant 10240 : i32
        %mul3A_547 = arith.muli %arg1, %mul3A_546 : i32
        %mul3A_548 = arith.constant 512 : i32
        %mul3A_549 = arith.muli %add3A_545, %mul3A_548 : i32
        %add3A_550 = arith.addi %mul3A_547, %mul3A_549 : i32
        %dma_start3A_551 = tpu.memref_slice %arg3[%arg0, %add3A_550] : memref<2x163840xi32, #tpu.memory_space<hbm>> -> memref<1x512xi32, #tpu.memory_space<hbm>>
        %dma_start3A_552 = tpu.memref_squeeze %dma_start3A_551 : memref<1x512xi32, #tpu.memory_space<hbm>> -> memref<512xi32, #tpu.memory_space<hbm>>
        %dma_start3A_553 = tpu.memref_slice %arg3[%arg0, %add3A_550] : memref<2x163840xi32, #tpu.memory_space<hbm>> -> memref<1x512xi32, #tpu.memory_space<hbm>>
        %dma_start3A_554 = tpu.memref_squeeze %dma_start3A_553 : memref<1x512xi32, #tpu.memory_space<hbm>> -> memref<512xi32, #tpu.memory_space<hbm>>
        tpu.enqueue_dma source(%dma_start3A_554 : memref<512xi32, #tpu.memory_space<hbm>>) target(%arg7 : memref<512xi32, #tpu.memory_space<vmem>>) target_semaphore(%arg15 : memref<!tpu.dma_semaphore, #tpu.memory_space<semaphore_mem>>)
        %mul3A_555 = arith.constant 8 : i32
        %mul3A_556 = arith.muli %add3A_545, %mul3A_555 : i32
        %dma_start3A_557 = arith.constant 0 : i32
        %dma_start3A_558 = tpu.memref_slice %arg4[%arg1, %mul3A_556, %dma_start3A_557] : memref<16x160x64xi32, #tpu.memory_space<hbm>> -> memref<1x8x64xi32, #tpu.memory_space<hbm>>
        %dma_start3A_559 = tpu.memref_squeeze %dma_start3A_558 : memref<1x8x64xi32, #tpu.memory_space<hbm>> -> memref<8x64xi32, #tpu.memory_space<hbm>>
        %dma_start3A_560 = arith.constant 0 : i32
        %dma_start3A_561 = tpu.memref_slice %arg4[%arg1, %mul3A_556, %dma_start3A_560] : memref<16x160x64xi32, #tpu.memory_space<hbm>> -> memref<1x8x64xi32, #tpu.memory_space<hbm>>
        %dma_start3A_562 = tpu.memref_squeeze %dma_start3A_561 : memref<1x8x64xi32, #tpu.memory_space<hbm>> -> memref<8x64xi32, #tpu.memory_space<hbm>>
        tpu.enqueue_dma source(%dma_start3A_562 : memref<8x64xi32, #tpu.memory_space<hbm>>) target(%arg9 : memref<8x64xi32, #tpu.memory_space<vmem>>) target_semaphore(%arg15 : memref<!tpu.dma_semaphore, #tpu.memory_space<semaphore_mem>>)
      } else {
      }
      %add3A_390 = arith.constant 2 : i32
      %add3A_391 = arith.addi %add3A_365, %add3A_390 : i32
      %lt3A_392 = arith.constant 160 : i32
      %lt3A_393 = arith.cmpi slt, %add3A_391, %lt3A_392 : i32
      %convert_element_type3A_394 = arith.extui %lt3A_393 : i1 to i32
      %cond3A_395 = arith.constant 0 : i32
      %cond3A_396 = arith.cmpi ne, %convert_element_type3A_394, %cond3A_395 : i32
      scf.if %cond3A_396 {
        %add3A_544 = arith.constant 2 : i32
        %add3A_545 = arith.addi %add3A_365, %add3A_544 : i32
        %dma_start3A_546 = arith.constant 256 : i32
        %dma_start3A_547 = tpu.memref_slice %arg8[%dma_start3A_546] : memref<512xi32, #tpu.memory_space<vmem>> -> memref<64xi32, #tpu.memory_space<vmem>>
        %dma_start3A_548 = arith.constant 0 : i32
        %dma_start3A_549 = arith.constant 0 : i32
        %dma_start3A_550 = tpu.memref_slice %arg2[%dma_start3A_548, %dma_start3A_549] : memref<20480x128xf32, #tpu.memory_space<hbm>> -> memref<20480x128xf32, #tpu.memory_space<hbm>>
        tpu.enqueue_indirect_dma source(%dma_start3A_550 : memref<20480x128xf32, #tpu.memory_space<hbm>>) target(%arg11 : memref<64x128xf32, #tpu.memory_space<vmem>>) offsets(%dma_start3A_547 : memref<64xi32, #tpu.memory_space<vmem>>) semaphore(%arg16 : memref<!tpu.dma_semaphore, #tpu.memory_space<semaphore_mem>>)
      } else {
      }
      %mul3A_397 = arith.constant 8 : i32
      %mul3A_398 = arith.muli %add3A_305, %mul3A_397 : i32
      %add3A_399 = arith.constant 3 : i32
      %add3A_400 = arith.addi %mul3A_398, %add3A_399 : i32
      %dma_wait3A_401 = arith.constant 0 : i32
      %dma_wait3A_402 = tpu.memref_slice %arg7[%dma_wait3A_401] : memref<512xi32, #tpu.memory_space<vmem>> -> memref<64xi32, #tpu.memory_space<vmem>>
      %dma_wait3A_403 = arith.constant 0 : i32
      %dma_wait3A_404 = arith.constant 0 : i32
      %dma_wait3A_405 = tpu.memref_slice %arg2[%dma_wait3A_403, %dma_wait3A_404] : memref<20480x128xf32, #tpu.memory_space<hbm>> -> memref<20480x128xf32, #tpu.memory_space<hbm>>
      tpu.wait_indirect_dma semaphore(%arg16 : memref<!tpu.dma_semaphore, #tpu.memory_space<semaphore_mem>>) src(%dma_wait3A_405 : memref<20480x128xf32, #tpu.memory_space<hbm>>) dst(%arg11 : memref<64x128xf32, #tpu.memory_space<vmem>>)
      %dma_start3A_406 = arith.constant 3 : i32
      %dma_start3A_407 = arith.constant 0 : i32
      %dma_start3A_408 = tpu.memref_slice %arg10[%dma_start3A_406, %dma_start3A_407] : memref<8x64xi32, #tpu.memory_space<vmem>> -> memref<1x64xi32, #tpu.memory_space<vmem>>
      %dma_start3A_409 = tpu.memref_squeeze %dma_start3A_408 : memref<1x64xi32, #tpu.memory_space<vmem>> -> memref<64xi32, #tpu.memory_space<vmem>>
      %dma_start3A_410 = arith.constant 0 : i32
      %dma_start3A_411 = arith.constant 0 : i32
      %dma_start3A_412 = tpu.memref_slice %arg17[%dma_start3A_410, %dma_start3A_411] : memref<10240x128xf32, #tpu.memory_space<vmem_shared>> -> memref<10240x128xf32, #tpu.memory_space<vmem_shared>>
      tpu.enqueue_indirect_dma source(%arg14 : memref<64x128xf32, #tpu.memory_space<vmem>>) target(%dma_start3A_412 : memref<10240x128xf32, #tpu.memory_space<vmem_shared>>) offsets(%dma_start3A_409 : memref<64xi32, #tpu.memory_space<vmem>>) semaphore(%arg18 : memref<!tpu.dma_semaphore, #tpu.memory_space<semaphore_mem>>) {add = true}
      %ge3A_413 = arith.constant 2 : i32
      %ge3A_414 = arith.cmpi sge, %add3A_400, %ge3A_413 : i32
      %convert_element_type3A_415 = arith.extui %ge3A_414 : i1 to i32
      %cond3A_416 = arith.constant 0 : i32
      %cond3A_417 = arith.cmpi ne, %convert_element_type3A_415, %cond3A_416 : i32
      scf.if %cond3A_417 {
        %dma_wait3A_544 = arith.constant 0 : i32
        %dma_wait3A_545 = arith.constant 0 : i32
        %dma_wait3A_546 = tpu.memref_slice %arg9[%dma_wait3A_544, %dma_wait3A_545] : memref<8x64xi32, #tpu.memory_space<vmem>> -> memref<1x64xi32, #tpu.memory_space<vmem>>
        %dma_wait3A_547 = tpu.memref_squeeze %dma_wait3A_546 : memref<1x64xi32, #tpu.memory_space<vmem>> -> memref<64xi32, #tpu.memory_space<vmem>>
        %dma_wait3A_548 = arith.constant 0 : i32
        %dma_wait3A_549 = arith.constant 0 : i32
        %dma_wait3A_550 = tpu.memref_slice %arg17[%dma_wait3A_548, %dma_wait3A_549] : memref<10240x128xf32, #tpu.memory_space<vmem_shared>> -> memref<10240x128xf32, #tpu.memory_space<vmem_shared>>
        tpu.wait_indirect_dma semaphore(%arg18 : memref<!tpu.dma_semaphore, #tpu.memory_space<semaphore_mem>>) src(%arg11 : memref<64x128xf32, #tpu.memory_space<vmem>>) dst(%dma_wait3A_550 : memref<10240x128xf32, #tpu.memory_space<vmem_shared>>)
      } else {
      }
      %add3A_418 = arith.constant 2 : i32
      %add3A_419 = arith.addi %add3A_400, %add3A_418 : i32
      %lt3A_420 = arith.constant 160 : i32
      %lt3A_421 = arith.cmpi slt, %add3A_419, %lt3A_420 : i32
      %convert_element_type3A_422 = arith.extui %lt3A_421 : i1 to i32
      %cond3A_423 = arith.constant 0 : i32
      %cond3A_424 = arith.cmpi ne, %convert_element_type3A_422, %cond3A_423 : i32
      scf.if %cond3A_424 {
        %add3A_544 = arith.constant 2 : i32
        %add3A_545 = arith.addi %add3A_400, %add3A_544 : i32
        %dma_start3A_546 = arith.constant 320 : i32
        %dma_start3A_547 = tpu.memref_slice %arg8[%dma_start3A_546] : memref<512xi32, #tpu.memory_space<vmem>> -> memref<64xi32, #tpu.memory_space<vmem>>
        %dma_start3A_548 = arith.constant 0 : i32
        %dma_start3A_549 = arith.constant 0 : i32
        %dma_start3A_550 = tpu.memref_slice %arg2[%dma_start3A_548, %dma_start3A_549] : memref<20480x128xf32, #tpu.memory_space<hbm>> -> memref<20480x128xf32, #tpu.memory_space<hbm>>
        tpu.enqueue_indirect_dma source(%dma_start3A_550 : memref<20480x128xf32, #tpu.memory_space<hbm>>) target(%arg12 : memref<64x128xf32, #tpu.memory_space<vmem>>) offsets(%dma_start3A_547 : memref<64xi32, #tpu.memory_space<vmem>>) semaphore(%arg16 : memref<!tpu.dma_semaphore, #tpu.memory_space<semaphore_mem>>)
      } else {
      }
      %mul3A_425 = arith.constant 8 : i32
      %mul3A_426 = arith.muli %add3A_305, %mul3A_425 : i32
      %add3A_427 = arith.constant 4 : i32
      %add3A_428 = arith.addi %mul3A_426, %add3A_427 : i32
      %dma_wait3A_429 = arith.constant 0 : i32
      %dma_wait3A_430 = tpu.memref_slice %arg7[%dma_wait3A_429] : memref<512xi32, #tpu.memory_space<vmem>> -> memref<64xi32, #tpu.memory_space<vmem>>
      %dma_wait3A_431 = arith.constant 0 : i32
      %dma_wait3A_432 = arith.constant 0 : i32
      %dma_wait3A_433 = tpu.memref_slice %arg2[%dma_wait3A_431, %dma_wait3A_432] : memref<20480x128xf32, #tpu.memory_space<hbm>> -> memref<20480x128xf32, #tpu.memory_space<hbm>>
      tpu.wait_indirect_dma semaphore(%arg16 : memref<!tpu.dma_semaphore, #tpu.memory_space<semaphore_mem>>) src(%dma_wait3A_433 : memref<20480x128xf32, #tpu.memory_space<hbm>>) dst(%arg11 : memref<64x128xf32, #tpu.memory_space<vmem>>)
      %dma_start3A_434 = arith.constant 4 : i32
      %dma_start3A_435 = arith.constant 0 : i32
      %dma_start3A_436 = tpu.memref_slice %arg10[%dma_start3A_434, %dma_start3A_435] : memref<8x64xi32, #tpu.memory_space<vmem>> -> memref<1x64xi32, #tpu.memory_space<vmem>>
      %dma_start3A_437 = tpu.memref_squeeze %dma_start3A_436 : memref<1x64xi32, #tpu.memory_space<vmem>> -> memref<64xi32, #tpu.memory_space<vmem>>
      %dma_start3A_438 = arith.constant 0 : i32
      %dma_start3A_439 = arith.constant 0 : i32
      %dma_start3A_440 = tpu.memref_slice %arg17[%dma_start3A_438, %dma_start3A_439] : memref<10240x128xf32, #tpu.memory_space<vmem_shared>> -> memref<10240x128xf32, #tpu.memory_space<vmem_shared>>
      tpu.enqueue_indirect_dma source(%arg11 : memref<64x128xf32, #tpu.memory_space<vmem>>) target(%dma_start3A_440 : memref<10240x128xf32, #tpu.memory_space<vmem_shared>>) offsets(%dma_start3A_437 : memref<64xi32, #tpu.memory_space<vmem>>) semaphore(%arg18 : memref<!tpu.dma_semaphore, #tpu.memory_space<semaphore_mem>>) {add = true}
      %ge3A_441 = arith.constant 2 : i32
      %ge3A_442 = arith.cmpi sge, %add3A_428, %ge3A_441 : i32
      %convert_element_type3A_443 = arith.extui %ge3A_442 : i1 to i32
      %cond3A_444 = arith.constant 0 : i32
      %cond3A_445 = arith.cmpi ne, %convert_element_type3A_443, %cond3A_444 : i32
      scf.if %cond3A_445 {
        %dma_wait3A_544 = arith.constant 0 : i32
        %dma_wait3A_545 = arith.constant 0 : i32
        %dma_wait3A_546 = tpu.memref_slice %arg9[%dma_wait3A_544, %dma_wait3A_545] : memref<8x64xi32, #tpu.memory_space<vmem>> -> memref<1x64xi32, #tpu.memory_space<vmem>>
        %dma_wait3A_547 = tpu.memref_squeeze %dma_wait3A_546 : memref<1x64xi32, #tpu.memory_space<vmem>> -> memref<64xi32, #tpu.memory_space<vmem>>
        %dma_wait3A_548 = arith.constant 0 : i32
        %dma_wait3A_549 = arith.constant 0 : i32
        %dma_wait3A_550 = tpu.memref_slice %arg17[%dma_wait3A_548, %dma_wait3A_549] : memref<10240x128xf32, #tpu.memory_space<vmem_shared>> -> memref<10240x128xf32, #tpu.memory_space<vmem_shared>>
        tpu.wait_indirect_dma semaphore(%arg18 : memref<!tpu.dma_semaphore, #tpu.memory_space<semaphore_mem>>) src(%arg11 : memref<64x128xf32, #tpu.memory_space<vmem>>) dst(%dma_wait3A_550 : memref<10240x128xf32, #tpu.memory_space<vmem_shared>>)
      } else {
      }
      %add3A_446 = arith.constant 2 : i32
      %add3A_447 = arith.addi %add3A_428, %add3A_446 : i32
      %lt3A_448 = arith.constant 160 : i32
      %lt3A_449 = arith.cmpi slt, %add3A_447, %lt3A_448 : i32
      %convert_element_type3A_450 = arith.extui %lt3A_449 : i1 to i32
      %cond3A_451 = arith.constant 0 : i32
      %cond3A_452 = arith.cmpi ne, %convert_element_type3A_450, %cond3A_451 : i32
      scf.if %cond3A_452 {
        %add3A_544 = arith.constant 2 : i32
        %add3A_545 = arith.addi %add3A_428, %add3A_544 : i32
        %dma_start3A_546 = arith.constant 384 : i32
        %dma_start3A_547 = tpu.memref_slice %arg8[%dma_start3A_546] : memref<512xi32, #tpu.memory_space<vmem>> -> memref<64xi32, #tpu.memory_space<vmem>>
        %dma_start3A_548 = arith.constant 0 : i32
        %dma_start3A_549 = arith.constant 0 : i32
        %dma_start3A_550 = tpu.memref_slice %arg2[%dma_start3A_548, %dma_start3A_549] : memref<20480x128xf32, #tpu.memory_space<hbm>> -> memref<20480x128xf32, #tpu.memory_space<hbm>>
        tpu.enqueue_indirect_dma source(%dma_start3A_550 : memref<20480x128xf32, #tpu.memory_space<hbm>>) target(%arg13 : memref<64x128xf32, #tpu.memory_space<vmem>>) offsets(%dma_start3A_547 : memref<64xi32, #tpu.memory_space<vmem>>) semaphore(%arg16 : memref<!tpu.dma_semaphore, #tpu.memory_space<semaphore_mem>>)
      } else {
      }
      %mul3A_453 = arith.constant 8 : i32
      %mul3A_454 = arith.muli %add3A_305, %mul3A_453 : i32
      %add3A_455 = arith.constant 5 : i32
      %add3A_456 = arith.addi %mul3A_454, %add3A_455 : i32
      %dma_wait3A_457 = arith.constant 0 : i32
      %dma_wait3A_458 = tpu.memref_slice %arg7[%dma_wait3A_457] : memref<512xi32, #tpu.memory_space<vmem>> -> memref<64xi32, #tpu.memory_space<vmem>>
      %dma_wait3A_459 = arith.constant 0 : i32
      %dma_wait3A_460 = arith.constant 0 : i32
      %dma_wait3A_461 = tpu.memref_slice %arg2[%dma_wait3A_459, %dma_wait3A_460] : memref<20480x128xf32, #tpu.memory_space<hbm>> -> memref<20480x128xf32, #tpu.memory_space<hbm>>
      tpu.wait_indirect_dma semaphore(%arg16 : memref<!tpu.dma_semaphore, #tpu.memory_space<semaphore_mem>>) src(%dma_wait3A_461 : memref<20480x128xf32, #tpu.memory_space<hbm>>) dst(%arg11 : memref<64x128xf32, #tpu.memory_space<vmem>>)
      %dma_start3A_462 = arith.constant 5 : i32
      %dma_start3A_463 = arith.constant 0 : i32
      %dma_start3A_464 = tpu.memref_slice %arg10[%dma_start3A_462, %dma_start3A_463] : memref<8x64xi32, #tpu.memory_space<vmem>> -> memref<1x64xi32, #tpu.memory_space<vmem>>
      %dma_start3A_465 = tpu.memref_squeeze %dma_start3A_464 : memref<1x64xi32, #tpu.memory_space<vmem>> -> memref<64xi32, #tpu.memory_space<vmem>>
      %dma_start3A_466 = arith.constant 0 : i32
      %dma_start3A_467 = arith.constant 0 : i32
      %dma_start3A_468 = tpu.memref_slice %arg17[%dma_start3A_466, %dma_start3A_467] : memref<10240x128xf32, #tpu.memory_space<vmem_shared>> -> memref<10240x128xf32, #tpu.memory_space<vmem_shared>>
      tpu.enqueue_indirect_dma source(%arg12 : memref<64x128xf32, #tpu.memory_space<vmem>>) target(%dma_start3A_468 : memref<10240x128xf32, #tpu.memory_space<vmem_shared>>) offsets(%dma_start3A_465 : memref<64xi32, #tpu.memory_space<vmem>>) semaphore(%arg18 : memref<!tpu.dma_semaphore, #tpu.memory_space<semaphore_mem>>) {add = true}
      %ge3A_469 = arith.constant 2 : i32
      %ge3A_470 = arith.cmpi sge, %add3A_456, %ge3A_469 : i32
      %convert_element_type3A_471 = arith.extui %ge3A_470 : i1 to i32
      %cond3A_472 = arith.constant 0 : i32
      %cond3A_473 = arith.cmpi ne, %convert_element_type3A_471, %cond3A_472 : i32
      scf.if %cond3A_473 {
        %dma_wait3A_544 = arith.constant 0 : i32
        %dma_wait3A_545 = arith.constant 0 : i32
        %dma_wait3A_546 = tpu.memref_slice %arg9[%dma_wait3A_544, %dma_wait3A_545] : memref<8x64xi32, #tpu.memory_space<vmem>> -> memref<1x64xi32, #tpu.memory_space<vmem>>
        %dma_wait3A_547 = tpu.memref_squeeze %dma_wait3A_546 : memref<1x64xi32, #tpu.memory_space<vmem>> -> memref<64xi32, #tpu.memory_space<vmem>>
        %dma_wait3A_548 = arith.constant 0 : i32
        %dma_wait3A_549 = arith.constant 0 : i32
        %dma_wait3A_550 = tpu.memref_slice %arg17[%dma_wait3A_548, %dma_wait3A_549] : memref<10240x128xf32, #tpu.memory_space<vmem_shared>> -> memref<10240x128xf32, #tpu.memory_space<vmem_shared>>
        tpu.wait_indirect_dma semaphore(%arg18 : memref<!tpu.dma_semaphore, #tpu.memory_space<semaphore_mem>>) src(%arg11 : memref<64x128xf32, #tpu.memory_space<vmem>>) dst(%dma_wait3A_550 : memref<10240x128xf32, #tpu.memory_space<vmem_shared>>)
      } else {
      }
      %add3A_474 = arith.constant 2 : i32
      %add3A_475 = arith.addi %add3A_456, %add3A_474 : i32
      %lt3A_476 = arith.constant 160 : i32
      %lt3A_477 = arith.cmpi slt, %add3A_475, %lt3A_476 : i32
      %convert_element_type3A_478 = arith.extui %lt3A_477 : i1 to i32
      %cond3A_479 = arith.constant 0 : i32
      %cond3A_480 = arith.cmpi ne, %convert_element_type3A_478, %cond3A_479 : i32
      scf.if %cond3A_480 {
        %add3A_544 = arith.constant 2 : i32
        %add3A_545 = arith.addi %add3A_456, %add3A_544 : i32
        %dma_start3A_546 = arith.constant 448 : i32
        %dma_start3A_547 = tpu.memref_slice %arg8[%dma_start3A_546] : memref<512xi32, #tpu.memory_space<vmem>> -> memref<64xi32, #tpu.memory_space<vmem>>
        %dma_start3A_548 = arith.constant 0 : i32
        %dma_start3A_549 = arith.constant 0 : i32
        %dma_start3A_550 = tpu.memref_slice %arg2[%dma_start3A_548, %dma_start3A_549] : memref<20480x128xf32, #tpu.memory_space<hbm>> -> memref<20480x128xf32, #tpu.memory_space<hbm>>
        tpu.enqueue_indirect_dma source(%dma_start3A_550 : memref<20480x128xf32, #tpu.memory_space<hbm>>) target(%arg14 : memref<64x128xf32, #tpu.memory_space<vmem>>) offsets(%dma_start3A_547 : memref<64xi32, #tpu.memory_space<vmem>>) semaphore(%arg16 : memref<!tpu.dma_semaphore, #tpu.memory_space<semaphore_mem>>)
      } else {
      }
      %mul3A_481 = arith.constant 8 : i32
      %mul3A_482 = arith.muli %add3A_305, %mul3A_481 : i32
      %add3A_483 = arith.constant 6 : i32
      %add3A_484 = arith.addi %mul3A_482, %add3A_483 : i32
      %dma_wait3A_485 = arith.constant 0 : i32
      %dma_wait3A_486 = tpu.memref_slice %arg7[%dma_wait3A_485] : memref<512xi32, #tpu.memory_space<vmem>> -> memref<64xi32, #tpu.memory_space<vmem>>
      %dma_wait3A_487 = arith.constant 0 : i32
      %dma_wait3A_488 = arith.constant 0 : i32
      %dma_wait3A_489 = tpu.memref_slice %arg2[%dma_wait3A_487, %dma_wait3A_488] : memref<20480x128xf32, #tpu.memory_space<hbm>> -> memref<20480x128xf32, #tpu.memory_space<hbm>>
      tpu.wait_indirect_dma semaphore(%arg16 : memref<!tpu.dma_semaphore, #tpu.memory_space<semaphore_mem>>) src(%dma_wait3A_489 : memref<20480x128xf32, #tpu.memory_space<hbm>>) dst(%arg11 : memref<64x128xf32, #tpu.memory_space<vmem>>)
      %dma_start3A_490 = arith.constant 6 : i32
      %dma_start3A_491 = arith.constant 0 : i32
      %dma_start3A_492 = tpu.memref_slice %arg10[%dma_start3A_490, %dma_start3A_491] : memref<8x64xi32, #tpu.memory_space<vmem>> -> memref<1x64xi32, #tpu.memory_space<vmem>>
      %dma_start3A_493 = tpu.memref_squeeze %dma_start3A_492 : memref<1x64xi32, #tpu.memory_space<vmem>> -> memref<64xi32, #tpu.memory_space<vmem>>
      %dma_start3A_494 = arith.constant 0 : i32
      %dma_start3A_495 = arith.constant 0 : i32
      %dma_start3A_496 = tpu.memref_slice %arg17[%dma_start3A_494, %dma_start3A_495] : memref<10240x128xf32, #tpu.memory_space<vmem_shared>> -> memref<10240x128xf32, #tpu.memory_space<vmem_shared>>
      tpu.enqueue_indirect_dma source(%arg13 : memref<64x128xf32, #tpu.memory_space<vmem>>) target(%dma_start3A_496 : memref<10240x128xf32, #tpu.memory_space<vmem_shared>>) offsets(%dma_start3A_493 : memref<64xi32, #tpu.memory_space<vmem>>) semaphore(%arg18 : memref<!tpu.dma_semaphore, #tpu.memory_space<semaphore_mem>>) {add = true}
      %ge3A_497 = arith.constant 2 : i32
      %ge3A_498 = arith.cmpi sge, %add3A_484, %ge3A_497 : i32
      %convert_element_type3A_499 = arith.extui %ge3A_498 : i1 to i32
      %cond3A_500 = arith.constant 0 : i32
      %cond3A_501 = arith.cmpi ne, %convert_element_type3A_499, %cond3A_500 : i32
      scf.if %cond3A_501 {
        %dma_wait3A_544 = arith.constant 0 : i32
        %dma_wait3A_545 = arith.constant 0 : i32
        %dma_wait3A_546 = tpu.memref_slice %arg9[%dma_wait3A_544, %dma_wait3A_545] : memref<8x64xi32, #tpu.memory_space<vmem>> -> memref<1x64xi32, #tpu.memory_space<vmem>>
        %dma_wait3A_547 = tpu.memref_squeeze %dma_wait3A_546 : memref<1x64xi32, #tpu.memory_space<vmem>> -> memref<64xi32, #tpu.memory_space<vmem>>
        %dma_wait3A_548 = arith.constant 0 : i32
        %dma_wait3A_549 = arith.constant 0 : i32
        %dma_wait3A_550 = tpu.memref_slice %arg17[%dma_wait3A_548, %dma_wait3A_549] : memref<10240x128xf32, #tpu.memory_space<vmem_shared>> -> memref<10240x128xf32, #tpu.memory_space<vmem_shared>>
        tpu.wait_indirect_dma semaphore(%arg18 : memref<!tpu.dma_semaphore, #tpu.memory_space<semaphore_mem>>) src(%arg11 : memref<64x128xf32, #tpu.memory_space<vmem>>) dst(%dma_wait3A_550 : memref<10240x128xf32, #tpu.memory_space<vmem_shared>>)
      } else {
      }
      %add3A_502 = arith.constant 1 : i32
      %add3A_503 = arith.addi %add3A_305, %add3A_502 : i32
      %lt3A_504 = arith.constant 20 : i32
      %lt3A_505 = arith.cmpi slt, %add3A_503, %lt3A_504 : i32
      %convert_element_type3A_506 = arith.extui %lt3A_505 : i1 to i32
      %cond3A_507 = arith.constant 0 : i32
      %cond3A_508 = arith.cmpi ne, %convert_element_type3A_506, %cond3A_507 : i32
      scf.if %cond3A_508 {
        %dma_wait3A_544 = arith.constant 0 : i32
        %dma_wait3A_545 = tpu.memref_slice %arg3[%arg0, %dma_wait3A_544] : memref<2x163840xi32, #tpu.memory_space<hbm>> -> memref<1x512xi32, #tpu.memory_space<hbm>>
        %dma_wait3A_546 = tpu.memref_squeeze %dma_wait3A_545 : memref<1x512xi32, #tpu.memory_space<hbm>> -> memref<512xi32, #tpu.memory_space<hbm>>
        %dma_wait3A_547 = arith.constant 0 : i32
        %dma_wait3A_548 = tpu.memref_slice %arg3[%arg0, %dma_wait3A_547] : memref<2x163840xi32, #tpu.memory_space<hbm>> -> memref<1x512xi32, #tpu.memory_space<hbm>>
        %dma_wait3A_549 = tpu.memref_squeeze %dma_wait3A_548 : memref<1x512xi32, #tpu.memory_space<hbm>> -> memref<512xi32, #tpu.memory_space<hbm>>
        tpu.wait_dma2 semaphore(%arg15 : memref<!tpu.dma_semaphore, #tpu.memory_space<semaphore_mem>>) src(%dma_wait3A_549 : memref<512xi32, #tpu.memory_space<hbm>>) dst(%arg7 : memref<512xi32, #tpu.memory_space<vmem>>)
        %dma_wait3A_550 = arith.constant 0 : i32
        %dma_wait3A_551 = arith.constant 0 : i32
        %dma_wait3A_552 = tpu.memref_slice %arg4[%arg1, %dma_wait3A_550, %dma_wait3A_551] : memref<16x160x64xi32, #tpu.memory_space<hbm>> -> memref<1x8x64xi32, #tpu.memory_space<hbm>>
        %dma_wait3A_553 = tpu.memref_squeeze %dma_wait3A_552 : memref<1x8x64xi32, #tpu.memory_space<hbm>> -> memref<8x64xi32, #tpu.memory_space<hbm>>
        %dma_wait3A_554 = arith.constant 0 : i32
        %dma_wait3A_555 = arith.constant 0 : i32
        %dma_wait3A_556 = tpu.memref_slice %arg4[%arg1, %dma_wait3A_554, %dma_wait3A_555] : memref<16x160x64xi32, #tpu.memory_space<hbm>> -> memref<1x8x64xi32, #tpu.memory_space<hbm>>
        %dma_wait3A_557 = tpu.memref_squeeze %dma_wait3A_556 : memref<1x8x64xi32, #tpu.memory_space<hbm>> -> memref<8x64xi32, #tpu.memory_space<hbm>>
        tpu.wait_dma2 semaphore(%arg15 : memref<!tpu.dma_semaphore, #tpu.memory_space<semaphore_mem>>) src(%dma_wait3A_557 : memref<8x64xi32, #tpu.memory_space<hbm>>) dst(%arg9 : memref<8x64xi32, #tpu.memory_space<vmem>>)
      } else {
      }
      %add3A_509 = arith.constant 2 : i32
      %add3A_510 = arith.addi %add3A_484, %add3A_509 : i32
      %lt3A_511 = arith.constant 160 : i32
      %lt3A_512 = arith.cmpi slt, %add3A_510, %lt3A_511 : i32
      %convert_element_type3A_513 = arith.extui %lt3A_512 : i1 to i32
      %cond3A_514 = arith.constant 0 : i32
      %cond3A_515 = arith.cmpi ne, %convert_element_type3A_513, %cond3A_514 : i32
      scf.if %cond3A_515 {
        %add3A_544 = arith.constant 2 : i32
        %add3A_545 = arith.addi %add3A_484, %add3A_544 : i32
        %dma_start3A_546 = arith.constant 0 : i32
        %dma_start3A_547 = tpu.memref_slice %arg7[%dma_start3A_546] : memref<512xi32, #tpu.memory_space<vmem>> -> memref<64xi32, #tpu.memory_space<vmem>>
        %dma_start3A_548 = arith.constant 0 : i32
        %dma_start3A_549 = arith.constant 0 : i32
        %dma_start3A_550 = tpu.memref_slice %arg2[%dma_start3A_548, %dma_start3A_549] : memref<20480x128xf32, #tpu.memory_space<hbm>> -> memref<20480x128xf32, #tpu.memory_space<hbm>>
        tpu.enqueue_indirect_dma source(%dma_start3A_550 : memref<20480x128xf32, #tpu.memory_space<hbm>>) target(%arg11 : memref<64x128xf32, #tpu.memory_space<vmem>>) offsets(%dma_start3A_547 : memref<64xi32, #tpu.memory_space<vmem>>) semaphore(%arg16 : memref<!tpu.dma_semaphore, #tpu.memory_space<semaphore_mem>>)
      } else {
      }
      %mul3A_516 = arith.constant 8 : i32
      %mul3A_517 = arith.muli %add3A_305, %mul3A_516 : i32
      %add3A_518 = arith.constant 7 : i32
      %add3A_519 = arith.addi %mul3A_517, %add3A_518 : i32
      %dma_wait3A_520 = arith.constant 0 : i32
      %dma_wait3A_521 = tpu.memref_slice %arg7[%dma_wait3A_520] : memref<512xi32, #tpu.memory_space<vmem>> -> memref<64xi32, #tpu.memory_space<vmem>>
      %dma_wait3A_522 = arith.constant 0 : i32
      %dma_wait3A_523 = arith.constant 0 : i32
      %dma_wait3A_524 = tpu.memref_slice %arg2[%dma_wait3A_522, %dma_wait3A_523] : memref<20480x128xf32, #tpu.memory_space<hbm>> -> memref<20480x128xf32, #tpu.memory_space<hbm>>
      tpu.wait_indirect_dma semaphore(%arg16 : memref<!tpu.dma_semaphore, #tpu.memory_space<semaphore_mem>>) src(%dma_wait3A_524 : memref<20480x128xf32, #tpu.memory_space<hbm>>) dst(%arg11 : memref<64x128xf32, #tpu.memory_space<vmem>>)
      %dma_start3A_525 = arith.constant 7 : i32
      %dma_start3A_526 = arith.constant 0 : i32
      %dma_start3A_527 = tpu.memref_slice %arg10[%dma_start3A_525, %dma_start3A_526] : memref<8x64xi32, #tpu.memory_space<vmem>> -> memref<1x64xi32, #tpu.memory_space<vmem>>
      %dma_start3A_528 = tpu.memref_squeeze %dma_start3A_527 : memref<1x64xi32, #tpu.memory_space<vmem>> -> memref<64xi32, #tpu.memory_space<vmem>>
      %dma_start3A_529 = arith.constant 0 : i32
      %dma_start3A_530 = arith.constant 0 : i32
      %dma_start3A_531 = tpu.memref_slice %arg17[%dma_start3A_529, %dma_start3A_530] : memref<10240x128xf32, #tpu.memory_space<vmem_shared>> -> memref<10240x128xf32, #tpu.memory_space<vmem_shared>>
      tpu.enqueue_indirect_dma source(%arg14 : memref<64x128xf32, #tpu.memory_space<vmem>>) target(%dma_start3A_531 : memref<10240x128xf32, #tpu.memory_space<vmem_shared>>) offsets(%dma_start3A_528 : memref<64xi32, #tpu.memory_space<vmem>>) semaphore(%arg18 : memref<!tpu.dma_semaphore, #tpu.memory_space<semaphore_mem>>) {add = true}
      %ge3A_532 = arith.constant 2 : i32
      %ge3A_533 = arith.cmpi sge, %add3A_519, %ge3A_532 : i32
      %convert_element_type3A_534 = arith.extui %ge3A_533 : i1 to i32
      %cond3A_535 = arith.constant 0 : i32
      %cond3A_536 = arith.cmpi ne, %convert_element_type3A_534, %cond3A_535 : i32
      scf.if %cond3A_536 {
        %dma_wait3A_544 = arith.constant 0 : i32
        %dma_wait3A_545 = arith.constant 0 : i32
        %dma_wait3A_546 = tpu.memref_slice %arg9[%dma_wait3A_544, %dma_wait3A_545] : memref<8x64xi32, #tpu.memory_space<vmem>> -> memref<1x64xi32, #tpu.memory_space<vmem>>
        %dma_wait3A_547 = tpu.memref_squeeze %dma_wait3A_546 : memref<1x64xi32, #tpu.memory_space<vmem>> -> memref<64xi32, #tpu.memory_space<vmem>>
        %dma_wait3A_548 = arith.constant 0 : i32
        %dma_wait3A_549 = arith.constant 0 : i32
        %dma_wait3A_550 = tpu.memref_slice %arg17[%dma_wait3A_548, %dma_wait3A_549] : memref<10240x128xf32, #tpu.memory_space<vmem_shared>> -> memref<10240x128xf32, #tpu.memory_space<vmem_shared>>
        tpu.wait_indirect_dma semaphore(%arg18 : memref<!tpu.dma_semaphore, #tpu.memory_space<semaphore_mem>>) src(%arg11 : memref<64x128xf32, #tpu.memory_space<vmem>>) dst(%dma_wait3A_550 : memref<10240x128xf32, #tpu.memory_space<vmem_shared>>)
      } else {
      }
      %add3A_537 = arith.constant 2 : i32
      %add3A_538 = arith.addi %add3A_519, %add3A_537 : i32
      %lt3A_539 = arith.constant 160 : i32
      %lt3A_540 = arith.cmpi slt, %add3A_538, %lt3A_539 : i32
      %convert_element_type3A_541 = arith.extui %lt3A_540 : i1 to i32
      %cond3A_542 = arith.constant 0 : i32
      %cond3A_543 = arith.cmpi ne, %convert_element_type3A_541, %cond3A_542 : i32
      scf.if %cond3A_543 {
        %add3A_544 = arith.constant 2 : i32
        %add3A_545 = arith.addi %add3A_519, %add3A_544 : i32
        %dma_start3A_546 = arith.constant 64 : i32
        %dma_start3A_547 = tpu.memref_slice %arg7[%dma_start3A_546] : memref<512xi32, #tpu.memory_space<vmem>> -> memref<64xi32, #tpu.memory_space<vmem>>
        %dma_start3A_548 = arith.constant 0 : i32
        %dma_start3A_549 = arith.constant 0 : i32
        %dma_start3A_550 = tpu.memref_slice %arg2[%dma_start3A_548, %dma_start3A_549] : memref<20480x128xf32, #tpu.memory_space<hbm>> -> memref<20480x128xf32, #tpu.memory_space<hbm>>
        tpu.enqueue_indirect_dma source(%dma_start3A_550 : memref<20480x128xf32, #tpu.memory_space<hbm>>) target(%arg12 : memref<64x128xf32, #tpu.memory_space<vmem>>) offsets(%dma_start3A_547 : memref<64xi32, #tpu.memory_space<vmem>>) semaphore(%arg16 : memref<!tpu.dma_semaphore, #tpu.memory_space<semaphore_mem>>)
      } else {
      }
    }
    %scan3A_44 = arith.constant 10 : i32
    %dma_wait3A_45 = arith.constant 0 : i32
    %dma_wait3A_46 = arith.constant 0 : i32
    %dma_wait3A_47 = tpu.memref_slice %arg9[%dma_wait3A_45, %dma_wait3A_46] : memref<8x64xi32, #tpu.memory_space<vmem>> -> memref<1x64xi32, #tpu.memory_space<vmem>>
    %dma_wait3A_48 = tpu.memref_squeeze %dma_wait3A_47 : memref<1x64xi32, #tpu.memory_space<vmem>> -> memref<64xi32, #tpu.memory_space<vmem>>
    %dma_wait3A_49 = arith.constant 0 : i32
    %dma_wait3A_50 = arith.constant 0 : i32
    %dma_wait3A_51 = tpu.memref_slice %arg17[%dma_wait3A_49, %dma_wait3A_50] : memref<10240x128xf32, #tpu.memory_space<vmem_shared>> -> memref<10240x128xf32, #tpu.memory_space<vmem_shared>>
    tpu.wait_indirect_dma semaphore(%arg18 : memref<!tpu.dma_semaphore, #tpu.memory_space<semaphore_mem>>) src(%arg11 : memref<64x128xf32, #tpu.memory_space<vmem>>) dst(%dma_wait3A_51 : memref<10240x128xf32, #tpu.memory_space<vmem_shared>>)
    %dma_wait3A_52 = arith.constant 0 : i32
    %dma_wait3A_53 = arith.constant 0 : i32
    %dma_wait3A_54 = tpu.memref_slice %arg9[%dma_wait3A_52, %dma_wait3A_53] : memref<8x64xi32, #tpu.memory_space<vmem>> -> memref<1x64xi32, #tpu.memory_space<vmem>>
    %dma_wait3A_55 = tpu.memref_squeeze %dma_wait3A_54 : memref<1x64xi32, #tpu.memory_space<vmem>> -> memref<64xi32, #tpu.memory_space<vmem>>
    %dma_wait3A_56 = arith.constant 0 : i32
    %dma_wait3A_57 = arith.constant 0 : i32
    %dma_wait3A_58 = tpu.memref_slice %arg17[%dma_wait3A_56, %dma_wait3A_57] : memref<10240x128xf32, #tpu.memory_space<vmem_shared>> -> memref<10240x128xf32, #tpu.memory_space<vmem_shared>>
    tpu.wait_indirect_dma semaphore(%arg18 : memref<!tpu.dma_semaphore, #tpu.memory_space<semaphore_mem>>) src(%arg11 : memref<64x128xf32, #tpu.memory_space<vmem>>) dst(%dma_wait3A_58 : memref<10240x128xf32, #tpu.memory_space<vmem_shared>>)
    %barrier3A = arith.constant 0 : index
    tpu.barrier barrier_id(%barrier3A)
    %mul3A_59 = arith.constant 640 : i32
    %mul3A_60 = arith.muli %arg1, %mul3A_59 : i32
    %mul3A_61 = arith.constant 640 : i32
    %mul3A_62 = arith.muli %arg1, %mul3A_61 : i32
    "tpu.region"() ({
      %run_scoped3A = tpu.sem_alloc : memref<!tpu.dma_semaphore, #tpu.memory_space<semaphore_mem>>
      %dma_start3A_63 = arith.constant 0 : i32
      %dma_start3A_64 = tpu.memref_slice %arg6[%arg0, %mul3A_62, %dma_start3A_63] : memref<2x10240x128xf32, #tpu.memory_space<hbm>> -> memref<1x640x128xf32, #tpu.memory_space<hbm>>
      %dma_start3A_65 = tpu.memref_squeeze %dma_start3A_64 : memref<1x640x128xf32, #tpu.memory_space<hbm>> -> memref<640x128xf32, #tpu.memory_space<hbm>>
      %dma_start3A_66 = arith.constant 0 : i32
      %dma_start3A_67 = tpu.memref_slice %arg17[%mul3A_60, %dma_start3A_66] : memref<10240x128xf32, #tpu.memory_space<vmem_shared>> -> memref<640x128xf32, #tpu.memory_space<vmem_shared>>
      tpu.enqueue_dma source(%dma_start3A_67 : memref<640x128xf32, #tpu.memory_space<vmem_shared>>) target(%dma_start3A_65 : memref<640x128xf32, #tpu.memory_space<hbm>>) target_semaphore(%run_scoped3A : memref<!tpu.dma_semaphore, #tpu.memory_space<semaphore_mem>>)
      %dma_wait3A_68 = arith.constant 0 : i32
      %dma_wait3A_69 = tpu.memref_slice %arg6[%arg0, %mul3A_62, %dma_wait3A_68] : memref<2x10240x128xf32, #tpu.memory_space<hbm>> -> memref<1x640x128xf32, #tpu.memory_space<hbm>>
      %dma_wait3A_70 = tpu.memref_squeeze %dma_wait3A_69 : memref<1x640x128xf32, #tpu.memory_space<hbm>> -> memref<640x128xf32, #tpu.memory_space<hbm>>
      %dma_wait3A_71 = arith.constant 0 : i32
      %dma_wait3A_72 = tpu.memref_slice %arg17[%mul3A_60, %dma_wait3A_71] : memref<10240x128xf32, #tpu.memory_space<vmem_shared>> -> memref<640x128xf32, #tpu.memory_space<vmem_shared>>
      tpu.wait_dma2 semaphore(%run_scoped3A : memref<!tpu.dma_semaphore, #tpu.memory_space<semaphore_mem>>) src(%dma_wait3A_72 : memref<640x128xf32, #tpu.memory_space<vmem_shared>>) dst(%dma_wait3A_70 : memref<640x128xf32, #tpu.memory_space<hbm>>)
      tpu.yield
    }) : () -> ()
    return
  }
}

#map = affine_map<(d0, d1) -> (0)>
#map1 = affine_map<(d0, d1) -> (0, 0)>
module attributes {stable_mosaic.version = 14 : i64} {
  func.func @_deg_kernel(%arg0: i32, %arg1: i32, %arg2: memref<163840xi32, #tpu.memory_space<hbm>>, %arg3: memref<32x10240xf32, #tpu.memory_space<hbm>>, %arg4: memref<5120xi32, #tpu.memory_space<vmem>>, %arg5: memref<10240xf32, #tpu.memory_space<vmem>>) attributes {dimension_semantics = [#tpu.dimension_semantics<core_parallel>, #tpu.dimension_semantics<subcore_parallel>], iteration_bounds = array<i64: 2, 16>, scalar_prefetch = 0 : i64, scratch_operands = 2 : i64, tpu.core_type = #tpu.core_type<sc_vector_subcore>, window_params = [{transform_indices = #map}, {transform_indices = #map1}]} {
    %mul3A = arith.constant 16 : i32
    %mul3A_0 = arith.muli %arg0, %mul3A : i32
    %add3A = arith.addi %mul3A_0, %arg1 : i32
    %mul3A_1 = arith.constant 5120 : i32
    %mul3A_2 = arith.muli %add3A, %mul3A_1 : i32
    "tpu.region"() ({
      %run_scoped3A = tpu.sem_alloc : memref<!tpu.dma_semaphore, #tpu.memory_space<semaphore_mem>>
      %dma_start3A = tpu.memref_slice %arg2[%mul3A_2] : memref<163840xi32, #tpu.memory_space<hbm>> -> memref<5120xi32, #tpu.memory_space<hbm>>
      %dma_start3A_15 = tpu.memref_slice %arg2[%mul3A_2] : memref<163840xi32, #tpu.memory_space<hbm>> -> memref<5120xi32, #tpu.memory_space<hbm>>
      tpu.enqueue_dma source(%dma_start3A_15 : memref<5120xi32, #tpu.memory_space<hbm>>) target(%arg4 : memref<5120xi32, #tpu.memory_space<vmem>>) target_semaphore(%run_scoped3A : memref<!tpu.dma_semaphore, #tpu.memory_space<semaphore_mem>>)
      %dma_wait3A = tpu.memref_slice %arg2[%mul3A_2] : memref<163840xi32, #tpu.memory_space<hbm>> -> memref<5120xi32, #tpu.memory_space<hbm>>
      %dma_wait3A_16 = tpu.memref_slice %arg2[%mul3A_2] : memref<163840xi32, #tpu.memory_space<hbm>> -> memref<5120xi32, #tpu.memory_space<hbm>>
      tpu.wait_dma2 semaphore(%run_scoped3A : memref<!tpu.dma_semaphore, #tpu.memory_space<semaphore_mem>>) src(%dma_wait3A_16 : memref<5120xi32, #tpu.memory_space<hbm>>) dst(%arg4 : memref<5120xi32, #tpu.memory_space<vmem>>)
      tpu.yield
    }) : () -> ()
    %broadcast_in_dim3A = arith.constant 0.000000e+00 : f32
    %broadcast_in_dim3A_3 = vector.broadcast %broadcast_in_dim3A : f32 to vector<16xf32>
    %scan3A = arith.constant 0 : i32
    %scan3A_4 = arith.constant 640 : i32
    %scan3A_5 = arith.addi %scan3A, %scan3A_4 : i32
    %scan3A_6 = arith.constant 1 : i32
    scf.for %scan3A_15 = %scan3A to %scan3A_5 step %scan3A_6  : i32 {
      %mul3A_16 = arith.constant 16 : i32
      %mul3A_17 = arith.muli %scan3A_15, %mul3A_16 : i32
      %swap3A = arith.index_cast %mul3A_17 : i32 to index
      %swap3A_18 = tpu.vector_load %arg5[%swap3A] {strides = array<i32>} : memref<10240xf32, #tpu.memory_space<vmem>>, vector<16xf32>,
      tpu.vector_store %arg5[%swap3A], %broadcast_in_dim3A_3 {strides = array<i32>} : memref<10240xf32, #tpu.memory_space<vmem>>, vector<16xf32>,
    }
    %scan3A_7 = arith.constant 640 : i32
    %broadcast_in_dim3A_8 = arith.constant 1.000000e+00 : f32
    %broadcast_in_dim3A_9 = vector.broadcast %broadcast_in_dim3A_8 : f32 to vector<16xf32>
    %scan3A_10 = arith.constant 0 : i32
    %scan3A_11 = arith.constant 320 : i32
    %scan3A_12 = arith.addi %scan3A_10, %scan3A_11 : i32
    %scan3A_13 = arith.constant 1 : i32
    scf.for %scan3A_15 = %scan3A_10 to %scan3A_12 step %scan3A_13  : i32 {
      %mul3A_16 = arith.constant 16 : i32
      %mul3A_17 = arith.muli %scan3A_15, %mul3A_16 : i32
      %get3A = arith.index_cast %mul3A_17 : i32 to index
      %get3A_18 = tpu.vector_load %arg4[%get3A] {strides = array<i32>} : memref<5120xi32, #tpu.memory_space<vmem>>, vector<16xi32>,
      tpu.vector_store_idx %arg5[%get3A_18], %broadcast_in_dim3A_9 {add = true} : memref<10240xf32, #tpu.memory_space<vmem>>[vector<16xi32>], vector<16xf32>,
    }
    %scan3A_14 = arith.constant 320 : i32
    "tpu.region"() ({
      %run_scoped3A = tpu.sem_alloc : memref<!tpu.dma_semaphore, #tpu.memory_space<semaphore_mem>>
      %dma_start3A = arith.constant 0 : i32
      %dma_start3A_15 = tpu.memref_slice %arg3[%add3A, %dma_start3A] : memref<32x10240xf32, #tpu.memory_space<hbm>> -> memref<1x10240xf32, #tpu.memory_space<hbm>>
      %dma_start3A_16 = tpu.memref_squeeze %dma_start3A_15 : memref<1x10240xf32, #tpu.memory_space<hbm>> -> memref<10240xf32, #tpu.memory_space<hbm>>
      %dma_start3A_17 = arith.constant 0 : i32
      %dma_start3A_18 = tpu.memref_slice %arg3[%add3A, %dma_start3A_17] : memref<32x10240xf32, #tpu.memory_space<hbm>> -> memref<1x10240xf32, #tpu.memory_space<hbm>>
      %dma_start3A_19 = tpu.memref_squeeze %dma_start3A_18 : memref<1x10240xf32, #tpu.memory_space<hbm>> -> memref<10240xf32, #tpu.memory_space<hbm>>
      tpu.enqueue_dma source(%arg5 : memref<10240xf32, #tpu.memory_space<vmem>>) target(%dma_start3A_19 : memref<10240xf32, #tpu.memory_space<hbm>>) target_semaphore(%run_scoped3A : memref<!tpu.dma_semaphore, #tpu.memory_space<semaphore_mem>>)
      %dma_wait3A = arith.constant 0 : i32
      %dma_wait3A_20 = tpu.memref_slice %arg3[%add3A, %dma_wait3A] : memref<32x10240xf32, #tpu.memory_space<hbm>> -> memref<1x10240xf32, #tpu.memory_space<hbm>>
      %dma_wait3A_21 = tpu.memref_squeeze %dma_wait3A_20 : memref<1x10240xf32, #tpu.memory_space<hbm>> -> memref<10240xf32, #tpu.memory_space<hbm>>
      %dma_wait3A_22 = arith.constant 0 : i32
      %dma_wait3A_23 = tpu.memref_slice %arg3[%add3A, %dma_wait3A_22] : memref<32x10240xf32, #tpu.memory_space<hbm>> -> memref<1x10240xf32, #tpu.memory_space<hbm>>
      %dma_wait3A_24 = tpu.memref_squeeze %dma_wait3A_23 : memref<1x10240xf32, #tpu.memory_space<hbm>> -> memref<10240xf32, #tpu.memory_space<hbm>>
      tpu.wait_dma2 semaphore(%run_scoped3A : memref<!tpu.dma_semaphore, #tpu.memory_space<semaphore_mem>>) src(%arg5 : memref<10240xf32, #tpu.memory_space<vmem>>) dst(%dma_wait3A_24 : memref<10240xf32, #tpu.memory_space<hbm>>)
      tpu.yield
    }) : () -> ()
    return
  }
}

module attributes {stable_mosaic.version = 14 : i64} {
  func.func @_scale_body(%arg0: i32, %arg1: i32, %arg2: memref<32x512xf32, #tpu.memory_space<vmem>>, %arg3: memref<512x128xf32, #tpu.memory_space<vmem>>, %arg4: memref<512x128xf32, #tpu.memory_space<vmem>>) attributes {dimension_semantics = [#tpu.dimension_semantics<arbitrary>, #tpu.dimension_semantics<arbitrary>], iteration_bounds = array<i64: 20, 2>, scalar_prefetch = 0 : i64, scratch_operands = 0 : i64, tpu.core_type = #tpu.core_type<tc>, window_params = [{transform_indices = @transform_0, window_bounds = array<i64: 32, 512>}, {transform_indices = @transform_1, window_bounds = array<i64: 512, 128>}, {transform_indices = @transform_2, window_bounds = array<i64: 512, 128>}]} {
    %get3A = arith.constant 0 : index
    %get3A_0 = arith.constant 0 : index
    %get3A_1 = vector.load %arg2[%get3A, %get3A_0] : memref<32x512xf32, #tpu.memory_space<vmem>>, vector<32x512xf32>
    %reduce_sum3A = arith.constant dense<0.000000e+00> : vector<512xf32>
    %reduce_sum3A_2 = vector.multi_reduction <add>, %get3A_1, %reduce_sum3A [0] : vector<32x512xf32> to vector<512xf32>
    %gt3A = arith.constant 0.000000e+00 : f32
    %gt3A_3 = vector.broadcast %gt3A : f32 to vector<512xf32>
    %gt3A_4 = arith.cmpf ogt, %reduce_sum3A_2, %gt3A_3 : vector<512xf32>
    %max3A = arith.constant 9.99999996E-13 : f32
    %max3A_5 = vector.broadcast %max3A : f32 to vector<512xf32>
    %max3A_6 = arith.maximumf %reduce_sum3A_2, %max3A_5 : vector<512xf32>
    %rsqrt3A = math.rsqrt %max3A_6 : vector<512xf32>
    %jit3A = arith.constant 0.000000e+00 : f32
    %broadcast_in_dim3A = vector.broadcast %jit3A : f32 to vector<512xf32>
    %select_n3A = arith.select %gt3A_4, %rsqrt3A, %broadcast_in_dim3A : vector<512xi1>, vector<512xf32>
    %get3A_7 = arith.constant 0 : index
    %get3A_8 = arith.constant 0 : index
    %get3A_9 = vector.load %arg3[%get3A_7, %get3A_8] : memref<512x128xf32, #tpu.memory_space<vmem>>, vector<512x128xf32>
    %broadcast_in_dim3A_10 = vector.shape_cast %select_n3A : vector<512xf32> to vector<512x1xf32>
    %mul3A = vector.broadcast %broadcast_in_dim3A_10 : vector<512x1xf32> to vector<512x128xf32>
    %mul3A_11 = arith.mulf %get3A_9, %mul3A : vector<512x128xf32>
    %swap3A = arith.constant 0 : index
    %swap3A_12 = arith.constant 0 : index
    %swap3A_13 = vector.load %arg4[%swap3A, %swap3A_12] : memref<512x128xf32, #tpu.memory_space<vmem>>, vector<512x128xf32>
    tpu.vector_store %arg4[%swap3A, %swap3A_12], %mul3A_11 {strides = array<i32>} : memref<512x128xf32, #tpu.memory_space<vmem>>, vector<512x128xf32>,
    return
  }
  func.func @transform_0(%arg0: i32, %arg1: i32) -> (i32, i32) {
    %c0_i32 = arith.constant 0 : i32
    %c0_i32_0 = arith.constant 0 : i32
    return %c0_i32, %arg0 : i32, i32
  }
  func.func @transform_1(%arg0: i32, %arg1: i32) -> (i32, i32) {
    %c0_i32 = arith.constant 0 : i32
    return %arg0, %arg1 : i32, i32
  }
  func.func @transform_2(%arg0: i32, %arg1: i32) -> (i32, i32) {
    %mul3A = arith.constant 20 : i32
    %mul3A_0 = arith.muli %arg1, %mul3A : i32
    %add3A = arith.addi %mul3A_0, %arg0 : i32
    %c0_i32 = arith.constant 0 : i32
    %c0_i32_1 = arith.constant 0 : i32
    return %add3A, %c0_i32 : i32, i32
  }
}

module attributes {stable_mosaic.version = 14 : i64} {
  func.func @_out_body(%arg0: i32, %arg1: memref<32x1024xf32, #tpu.memory_space<vmem>>, %arg2: memref<1x1024x128xf32, #tpu.memory_space<vmem>>, %arg3: memref<1x1024x128xf32, #tpu.memory_space<vmem>>, %arg4: memref<256x256xf32, #tpu.memory_space<vmem>>, %arg5: memref<1x256xf32, #tpu.memory_space<vmem>>, %arg6: memref<1024x256xf32, #tpu.memory_space<vmem>>) attributes {dimension_semantics = [#tpu.dimension_semantics<arbitrary>], iteration_bounds = array<i64: 10>, scalar_prefetch = 0 : i64, scratch_operands = 0 : i64, tpu.core_type = #tpu.core_type<tc>, window_params = [{transform_indices = @transform_0, window_bounds = array<i64: 32, 1024>}, {transform_indices = @transform_1, window_bounds = array<i64: 1, 1024, 128>}, {transform_indices = @transform_2, window_bounds = array<i64: 1, 1024, 128>}, {pipeline_mode = #tpu.pipeline_mode<synchronous>, transform_indices = @transform_3, window_bounds = array<i64: 256, 256>}, {pipeline_mode = #tpu.pipeline_mode<synchronous>, transform_indices = @transform_4, window_bounds = array<i64: 1, 256>}, {transform_indices = @transform_5, window_bounds = array<i64: 1024, 256>}]} {
    %get3A = arith.constant 0 : index
    %get3A_0 = arith.constant 0 : index
    %get3A_1 = vector.load %arg1[%get3A, %get3A_0] : memref<32x1024xf32, #tpu.memory_space<vmem>>, vector<32x1024xf32>
    %reduce_sum3A = arith.constant dense<0.000000e+00> : vector<1024xf32>
    %reduce_sum3A_2 = vector.multi_reduction <add>, %get3A_1, %reduce_sum3A [0] : vector<32x1024xf32> to vector<1024xf32>
    %gt3A = arith.constant 0.000000e+00 : f32
    %gt3A_3 = vector.broadcast %gt3A : f32 to vector<1024xf32>
    %gt3A_4 = arith.cmpf ogt, %reduce_sum3A_2, %gt3A_3 : vector<1024xf32>
    %max3A = arith.constant 9.99999996E-13 : f32
    %max3A_5 = vector.broadcast %max3A : f32 to vector<1024xf32>
    %max3A_6 = arith.maximumf %reduce_sum3A_2, %max3A_5 : vector<1024xf32>
    %rsqrt3A = math.rsqrt %max3A_6 : vector<1024xf32>
    %jit3A = arith.constant 0.000000e+00 : f32
    %broadcast_in_dim3A = vector.broadcast %jit3A : f32 to vector<1024xf32>
    %select_n3A = arith.select %gt3A_4, %rsqrt3A, %broadcast_in_dim3A : vector<1024xi1>, vector<1024xf32>
    %get3A_7 = arith.constant 0 : index
    %get3A_8 = arith.constant 0 : index
    %get3A_9 = arith.constant 0 : index
    %get3A_10 = vector.load %arg2[%get3A_7, %get3A_8, %get3A_9] : memref<1x1024x128xf32, #tpu.memory_space<vmem>>, vector<1x1024x128xf32>
    %get3A_11 = vector.shape_cast %get3A_10 : vector<1x1024x128xf32> to vector<1024x128xf32>
    %broadcast_in_dim3A_12 = vector.shape_cast %select_n3A : vector<1024xf32> to vector<1024x1xf32>
    %mul3A = vector.broadcast %broadcast_in_dim3A_12 : vector<1024x1xf32> to vector<1024x128xf32>
    %mul3A_13 = arith.mulf %get3A_11, %mul3A : vector<1024x128xf32>
    %get3A_14 = arith.constant 0 : index
    %get3A_15 = arith.constant 0 : index
    %get3A_16 = arith.constant 0 : index
    %get3A_17 = vector.load %arg3[%get3A_14, %get3A_15, %get3A_16] : memref<1x1024x128xf32, #tpu.memory_space<vmem>>, vector<1x1024x128xf32>
    %get3A_18 = vector.shape_cast %get3A_17 : vector<1x1024x128xf32> to vector<1024x128xf32>
    %broadcast_in_dim3A_19 = vector.shape_cast %select_n3A : vector<1024xf32> to vector<1024x1xf32>
    %mul3A_20 = vector.broadcast %broadcast_in_dim3A_19 : vector<1024x1xf32> to vector<1024x128xf32>
    %mul3A_21 = arith.mulf %get3A_18, %mul3A_20 : vector<1024x128xf32>
    %get3A_22 = arith.constant 0 : index
    %get3A_23 = arith.constant 0 : index
    %get3A_24 = vector.load %arg4[%get3A_22, %get3A_23] : memref<256x256xf32, #tpu.memory_space<vmem>>, vector<128x256xf32>
    %dot_general3A = arith.constant dense<0.000000e+00> : vector<1024x256xf32>
    %dot_general3A_25 = tpu.matmul %mul3A_13, %get3A_24, %dot_general3A {dimension_numbers = #tpu.dot_dimension_numbers<[1], [0], [0], [1], [0, 0, 1, 1], [], []>, transpose_lhs_hint = false} : vector<1024x128xf32>, vector<128x256xf32>, vector<1024x256xf32> -> vector<1024x256xf32>
    %get3A_26 = arith.constant 128 : index
    %get3A_27 = arith.constant 0 : index
    %get3A_28 = vector.load %arg4[%get3A_26, %get3A_27] : memref<256x256xf32, #tpu.memory_space<vmem>>, vector<128x256xf32>
    %dot_general3A_29 = arith.constant dense<0.000000e+00> : vector<1024x256xf32>
    %dot_general3A_30 = tpu.matmul %mul3A_21, %get3A_28, %dot_general3A_29 {dimension_numbers = #tpu.dot_dimension_numbers<[1], [0], [0], [1], [0, 0, 1, 1], [], []>, transpose_lhs_hint = false} : vector<1024x128xf32>, vector<128x256xf32>, vector<1024x256xf32> -> vector<1024x256xf32>
    %add3A = arith.addf %dot_general3A_25, %dot_general3A_30 : vector<1024x256xf32>
    %get3A_31 = arith.constant 0 : index
    %get3A_32 = arith.constant 0 : index
    %get3A_33 = vector.load %arg5[%get3A_31, %get3A_32] : memref<1x256xf32, #tpu.memory_space<vmem>>, vector<1x256xf32>
    %add3A_34 = vector.broadcast %get3A_33 : vector<1x256xf32> to vector<1024x256xf32>
    %add3A_35 = arith.addf %add3A, %add3A_34 : vector<1024x256xf32>
    %max3A_36 = arith.constant 0.000000e+00 : f32
    %max3A_37 = vector.broadcast %max3A_36 : f32 to vector<1024x256xf32>
    %max3A_38 = arith.maximumf %add3A_35, %max3A_37 : vector<1024x256xf32>
    %swap3A = arith.constant 0 : index
    %swap3A_39 = arith.constant 0 : index
    %swap3A_40 = vector.load %arg6[%swap3A, %swap3A_39] : memref<1024x256xf32, #tpu.memory_space<vmem>>, vector<1024x256xf32>
    tpu.vector_store %arg6[%swap3A, %swap3A_39], %max3A_38 {strides = array<i32>} : memref<1024x256xf32, #tpu.memory_space<vmem>>, vector<1024x256xf32>,
    return
  }
  func.func @transform_0(%arg0: i32) -> (i32, i32) {
    %c0_i32 = arith.constant 0 : i32
    %c0_i32_0 = arith.constant 0 : i32
    return %c0_i32, %arg0 : i32, i32
  }
  func.func @transform_1(%arg0: i32) -> (i32, i32, i32) {
    %c0_i32 = arith.constant 0 : i32
    %c0_i32_0 = arith.constant 0 : i32
    %c0_i32_1 = arith.constant 0 : i32
    return %c0_i32, %arg0, %c0_i32_0 : i32, i32, i32
  }
  func.func @transform_2(%arg0: i32) -> (i32, i32, i32) {
    %c1_i32 = arith.constant 1 : i32
    %c0_i32 = arith.constant 0 : i32
    %c0_i32_0 = arith.constant 0 : i32
    return %c1_i32, %arg0, %c0_i32 : i32, i32, i32
  }
  func.func @transform_3(%arg0: i32) -> (i32, i32) {
    %c0_i32 = arith.constant 0 : i32
    %c0_i32_0 = arith.constant 0 : i32
    %c0_i32_1 = arith.constant 0 : i32
    return %c0_i32, %c0_i32_0 : i32, i32
  }
  func.func @transform_4(%arg0: i32) -> (i32, i32) {
    %c0_i32 = arith.constant 0 : i32
    %c0_i32_0 = arith.constant 0 : i32
    %c0_i32_1 = arith.constant 0 : i32
    return %c0_i32, %c0_i32_0 : i32, i32
  }
  func.func @transform_5(%arg0: i32) -> (i32, i32) {
    %c0_i32 = arith.constant 0 : i32
    %c0_i32_0 = arith.constant 0 : i32
    return %arg0, %c0_i32 : i32, i32
  }
}

</mosaic_0001>

<sc_bundles>
// kernel: kernel.6.cloned.1.call-start
scs
__scs_entry_jumppad:
0x0: {  	(pc) =	sbr.rel $0x88, $3  }
0x1: {  	(tag) =	ssettag $0x0;
	lr =	simm.s32 $0x1  }
0x2: {  	[smem:$0x3F9D] =	sst lr;
	_ =	strace $0xD0000000  }
0x3: {  	_ = 	snop  }
0x4: {  	_ = 	snop  }
0x5: {  	_ = 	snop  }
0x6: {  	_ = 	snop  }
0x7: {  	_ = 	snop  }
__scs_overlays_trampoline_lowered:
0x8: {  	[smem:$0x3FAC] =	sst s0  }
0x9: {  	[smem:$0x3FAD] =	sst s1  }
0xa: {  	[smem:$0x3FAE] =	sst s2  }
0xb: {  	[smem:$0x3FAF] =	sst s3  }
0xc: {  	[smem:$0x3FB0] =	sst s4  }
0xd: {  	[smem:$0x3FB1] =	sst s5  }
0xe: {  	[smem:$0x3FB2] =	sst s6  }
0xf: {  	[smem:$0x3FB3] =	sst s7  }
0x10: {  	[smem:$0x3FB4] =	sst s8  }
0x11: {  	[smem:$0x3FB5] =	sst s9;
	s0 =	simm.s32 @!p0 $0x0  }
0x12: {  	s1 =	sld [smem:$0x3F9B];
	s0 =	simm.s32 @p0 $0x1  }
0x13: {  	[smem:$0x3FB6] =	sst s0;
	s0 =	simm.s32 @!p1 $0x0  }
0x14: {  	s2 =	sld [smem:$0x3F9A];
	s0 =	simm.s32 @p1 $0x1  }
0x15: {  	[smem:$0x3FB7] =	sst s0;
	s0 =	simm.s32 @!p2 $0x0  }
0x16: {  	s3 =	sld [smem:$0x3FDB];
	s0 =	simm.s32 @p2 $0x1  }
0x17: {  	s4 =	simm.s32 $0x1BF5;
	[smem:$0x3FB9] =	sst s0  }
0x18: {  	s0 =	sld [smem:$0x3F9C];
	_ =	swait.ge [sflag:s4], $0x0  }
0x19: {  	s7 =	sld [smem:$0x3F9D]  }
0x1a: {  	s8 =	sadd.s32 $0xFFFFE003, lr  }
0x1b: {  	s9 =	sadd.s32 $0xFFFFFEF7, lr;
	s5 =	simm.s32 $0xFFFFFFFF;
	p2 =	slt.u32 s8, $0xFFFFF086  }
0x1c: {  	p1 =	slt.u32 s9, $0xF7A;
	s5 =	simm.s32 @!p2 $0x0  }
0x1d: {  	s5 =	simm.s32 @p1 $0x1;
	p0 =	seq.s32 s7, s2  }
0x1e: {  	s7 =	smul.u32 @!p0 $0xF7A, s2;
	p2 =	seq.s32 @!p0 s5, $0x0  }
0x1f: {  	s9 =	smul.u32 $0xF7A, s1;
	s8 =	simm.s32 @!p0 $0x1BF5;
	p2 =	por !p2, p0  }
0x20: {  	[sflag:s8] =	ssyncset.s32 @!p0 $0xFFFFF086;
	s6 =	sadd.s32 @!p0 s3, s7;
	s7 =	simm.s32 @!p0 $0x108  }
0x21: {  	s3 =	sadd.s32 s3, s9;
	s6 =	sadd.s32 @!p0 $0x88, s6;
	s7 =	simm.s32 @p2 $0x1082  }
0x22: {  	[simem:s7], [sflag:s8] =	dma.local @!p0 [hbm:s6], $0xF7A  }
0x23: {  	s9 =	sor.u32 $0xD0000000, s2;
	s6 =	simm.s32 $0x108;
	_ =	swait.ge @!p0 [sflag:s8], $0x0  }
0x24: {  	s3 =	sadd.s32 $0x88, s3;
	s6 =	simm.s32 @!p1 $0x1082;
	[sflag:s4] =	ssyncset.s32 $0xFFFFF086  }
0x25: {  	[simem:s6], [sflag:s4] =	dma.local [hbm:s3], $0xF7A  }
0x26: {  	[smem:$0x3F9D] =	sst s1;
	(tag) =	ssettag s2;
	_ =	strace s9  }
0x27: {  	s1 =	sld [smem:$0x3FAD]  }
0x28: {  	s2 =	sld [smem:$0x3FAE]  }
0x29: {  	s4 =	sld [smem:$0x3FB0]  }
0x2a: {  	p0 =	seq.s32 s5, $0x0;
	s5 =	sld [smem:$0x3FB1]  }
0x2b: {  	s6 =	sld [smem:$0x3FB2]  }
0x2c: {  	s7 =	sld [smem:$0x3FB3]  }
0x2d: {  	s3 =	simm.s32 $0x108;
	s8 =	sld [smem:$0x3FB4]  }
0x2e: {  	s3 =	simm.s32 @!p0 $0x1082;
	s9 =	sld [smem:$0x3FB5]  }
0x2f: {  	lr =	sadd.s32 s0, s3;
	s0 =	sld [smem:$0x3FAC]  }
0x30: {  	s3 =	sld [smem:$0x3FAF]  }
0x31: {  	[smem:$0x3FB8] =	sst s10  }
0x32: {  	s10 =	sld [smem:$0x3FB6];
	_ =	sdelay $0x3  }
0x33: {  	p0 =	seq.s32 s10, $0x1;
	s10 =	sld [smem:$0x3FB8];
	_ =	sdelay $0x3  }
0x34: {  	[smem:$0x3FB8] =	sst s10  }
0x35: {  	s10 =	sld [smem:$0x3FB7];
	_ =	sdelay $0x3  }
0x36: {  	p1 =	seq.s32 s10, $0x1;
	s10 =	sld [smem:$0x3FB8];
	_ =	sdelay $0x3  }
0x37: {  	[smem:$0x3FB8] =	sst s10  }
0x38: {  	s10 =	sld [smem:$0x3FB9]  }
0x39: {  	_ = 	snop;
	(pc) =	sbr.ind lr, $3  }
0x3a: {  	_ = 	snop  }
0x3b: {  	_ = 	snop  }
0x3c: {  	p2 =	seq.s32 s10, $0x1;
	s10 =	sld [smem:$0x3FB8]  }
0x3d: {  	_ =	shalt  }
0x3e: {  	_ =	shalt  }
0x3f: {  	_ =	shalt  }
0x40: {  	_ =	shalt  }
0x41: {  	_ =	shalt  }
0x42: {  	_ =	shalt  }
0x43: {  	_ =	shalt  }
0x44: {  	_ =	shalt  }
0x45: {  	_ =	shalt  }
0x46: {  	_ =	shalt  }
0x47: {  	_ =	shalt  }
0x48: {  	_ =	shalt  }
0x49: {  	_ =	shalt  }
0x4a: {  	_ =	shalt  }
0x4b: {  	_ =	shalt  }
0x4c: {  	_ =	shalt  }
0x4d: {  	_ =	shalt  }
0x4e: {  	_ =	shalt  }
0x4f: {  	_ =	shalt  }
0x50: {  	_ =	shalt  }
0x51: {  	_ =	shalt  }
0x52: {  	_ =	shalt  }
0x53: {  	_ =	shalt  }
0x54: {  	_ =	shalt  }
0x55: {  	_ =	shalt  }
0x56: {  	_ =	shalt  }
0x57: {  	_ =	shalt  }
0x58: {  	_ =	shalt  }
0x59: {  	_ =	shalt  }
0x5a: {  	_ =	shalt  }
0x5b: {  	_ =	shalt  }
0x5c: {  	_ =	shalt  }
0x5d: {  	_ =	shalt  }
0x5e: {  	_ =	shalt  }
0x5f: {  	_ =	shalt  }
0x60: {  	_ =	shalt  }
0x61: {  	_ =	shalt  }
0x62: {  	_ =	shalt  }
0x63: {  	_ =	shalt  }
0x64: {  	_ =	shalt  }
0x65: {  	_ =	shalt  }
0x66: {  	_ =	shalt  }
0x67: {  	_ =	shalt  }
0x68: {  	_ =	shalt  }
0x69: {  	_ =	shalt  }
0x6a: {  	_ =	shalt  }
0x6b: {  	_ =	shalt  }
0x6c: {  	_ =	shalt  }
0x6d: {  	_ =	shalt  }
0x6e: {  	_ =	shalt  }
0x6f: {  	_ =	shalt  }
0x70: {  	_ =	shalt  }
0x71: {  	_ =	shalt  }
0x72: {  	_ =	shalt  }
0x73: {  	_ =	shalt  }
0x74: {  	_ =	shalt  }
0x75: {  	_ =	shalt  }
0x76: {  	_ =	shalt  }
0x77: {  	_ =	shalt  }
0x78: {  	_ =	shalt  }
0x79: {  	_ =	shalt  }
0x7a: {  	_ =	shalt  }
0x7b: {  	_ =	shalt  }
0x7c: {  	_ =	shalt  }
0x7d: {  	_ =	shalt  }
0x7e: {  	_ =	shalt  }
0x7f: {  	_ =	shalt  }
0x80: {  	_ =	shalt  }
0x81: {  	_ =	shalt  }
0x82: {  	_ =	shalt  }
0x83: {  	_ =	shalt  }
0x84: {  	_ =	shalt  }
0x85: {  	_ =	shalt  }
0x86: {  	_ =	shalt  }
0x87: {  	_ =	shalt  }
.Lfunc_end0:
.L_simem_size_0:
called_computation_lowered:
.L_overlay_start_0:
0x88: {  	s2 =	sld [smem:$0x3FD9]  }
0x89: {  	s3 =	sld [smem:$0x3FFE];
	_ =	sdelay $0x1  }
0x8a: {  	s1 =	srdreg.scid  }
0x8b: {  	s0 =	sand.u32 $0x1, s1  }
0x8c: {  	s16 =	sshll.u32 s0, $0xA;
	s2 =	sadd.s32 s3, s2  }
0x8d: {  	s2 =	sadd.s32 s2, s16  }
0x8e: {  	[smem:$0x3FC4] =	sst s2  }
0x8f: {  	_ = 	snop  }
0x90: {  	(tm) =	ssettm $0x1  }
0x91: {  	s17 =	sld [smem:$0x3FFB];
	_ =	sdelay $0x3  }
0x92: {  	_ =	strace s17  }
0x93: {  	s2 =	sld [smem:$0x3FFC];
	_ =	sdelay $0x3  }
0x94: {  	_ =	strace s2  }
0x95: {  	s2 =	sld [smem:$0x3FFD];
	_ =	sdelay $0x3  }
0x96: {  	_ =	strace s2  }
0x97: {  	_ =	strace $0x8FFFFFFF  }
0x98: {  	s18 =	sld [smem:$0x3FDB];
	_ =	sdelay $0x1  }
0x99: {  	s19 =	simm.s32 $_scs_section_size  }
0x9a: {  	s4 =	simm.s32 $_size__tile_overlayer_lowered;
	s5 =	simm.s32 $_tile_overlayer_lowered  }
0x9b: {  	s22 =	simm.s32 $0x1BFF;
	s21 =	sshll.u32 s5, $0x1;
	s2 =	sadd.s32 s19, s18  }
0x9c: {  	s6 =	simm.s32 $0x0;
	s20 =	sshll.u32 s4, $0x1;
	s4 =	sadd.s32 s21, s2  }
0x9d: {  	[timem:s6], [sflag:s22] =	dma.local [hbm:s4], s20  }
0x9e: {  	_ =	swait.ge [sflag:s22], s20  }
0x9f: {  	s3 =	ssub.s32 $0x0, s20;
	[sflag:s22] =	ssyncset.done $0x0  }
0xa0: {  	[sflag:s22] =	ssyncadd.s32 s3;
	_ =	sdelay $0x1  }
0xa1: {  	s23 =	simm.s32 $0x1B8B  }
0xa2: {  	_ =	swait.ge [sflag:s23], $0x1  }
0xa3: {  	[sflag:s23] =	ssyncset.done $0x0  }
0xa4: {  	s25 =	simm.s32 $0x1B8E;
	s24 =	sld [smem:$0x3FFE];
	[sflag:s23] =	ssyncadd.s32 $0xFFFFFFFF  }
0xa5: {  	s26 =	simm.s32 $execute0_lowered;
	[smem:$0x3FD2] =	sst s25  }
0xa6: {  	s4 =	sshll.u32 s26, $0x1;
	_ =	strace $0x80000046;
	[dreg:$0x1] =	wrdreg $0xFFFFFFFF  }
0xa7: {  	s28 =	simm.s32 $_size_execute0_lowered;
	s2 =	sadd.s32 s2, s4;
	[dreg:$0x0] =	wrdreg $0x0  }
0xa8: {  	s4 =	sshll.u32 s28, $0x1;
	[dreg:$0x2] =	wrdreg s2  }
0xa9: {  	[dreg:$0x3] =	wrdreg s4  }
0xaa: {  	[dreg:$0x4] =	wrdreg $0xC0  }
0xab: {  	_ =	task [dreg:s6], $0x5FFFF  }
0xac: {  	[dreg:$0x1] =	wrdreg $0xFFFFFFFF  }
0xad: {  	[dreg:$0x0] =	wrdreg $0x60  }
0xae: {  	[dreg:$0x2] =	wrdreg s24  }
0xaf: {  	[dreg:$0x3] =	wrdreg $0x9  }
0xb0: {  	_ =	task.clear_ibuf [dreg:s6], $0x4FFFF;
	_ =	strace $0x90000046  }
0xb1: {  	s29 =	simm.s32 $0x9;
	_ =	strace $0x80000048  }
0xb2: {  	_ =	swait.ge [sflag:s29], $0x1  }
0xb3: {  	[sflag:s29] =	ssyncadd.s32 $0xFFFFFFFF  }
0xb4: {  	_ =	strace $0x90000048  }
0xb5: {  	_ =	sfence  }
0xb6: {  	s30 =	sld [smem:$0x0];
	_ =	sdelay $0x2  }
0xb7: {  	s31 =	sshll.u32 s1, $0xD;
	s1 =	sshrl.u32 s1, $0x2  }
0xb8: {  	s3 =	sand.u32 $0x4000, s31;
	s1 =	sadd.s32 s1, s30  }
0xb9: {  	s0 =	sor.u32 s3, s0;
	s1 =	sshll.u32 s1, $0x11  }
0xba: {  	s0 =	sor.u32 s1, s0  }
0xbb: {  	s0 =	sadd.s32 $0x8F2B, s0  }
0xbc: {  	[sflag:s0] =	ssyncadd.remote.s32 $0x1  }
0xbd: {  	_ =	sfence.sel $0xFFFF  }
0xbe: {  	[dreg:$0x0] =	wrdreg $0xFFFFFFFF;
	(pc) =	sbr.abs _section_cstart, $3  }
0xbf: {  	[dreg:$0x1] =	wrdreg $0xFFFFFFFF  }
0xc0: {  	_ =	task.clear_ibuf [dreg:s6], $0x2FFFF;
	_ =	strace $0x9FFFFFFF  }
0xc1: {  	(tm) =	ssettm $0x7FFFFFFF  }
tec
execute0_lowered:
.L_overlay_start_1:
0x0: {  	(tag) =	ssettag $0x1  }
0x1: {  	s0 =	srdreg.scid  }
0x2: {  	s5 =	rddreg [dreg:$0x0];
	s3 =	sand.u32 $0x1, s0  }
0x3: {  	s2 =	simm.s32 $0x0;
	s0 =	stileid.u32;
	s1 =	sshll.u32 s3, $0x4  }
0x4: {  	s8 =	simm.s32 $0x80;
	s9 =	simm.s32 $0x400;
	s4 =	sor.u32 s0, s1  }
0x5: {  	s10 =	simm.s32 $0x0;
	[smem:$0x7FF] =	sst s2;
	s1 =	sshrl.u32 s4, $0x3  }
0x6: {  	s7 =	sshll.u32 s0, $0x7;
	s3 =	ssub.s32 $0x2, s3;
	s6 =	smul.u32 $0x14000, s1  }
0x7: {  	s7 =	sand.u32 $0x380, s7;
	s31 =	sshrl.u32 s3, $0x1;
	s4 =	smul.u32 $0x280, s4  }
0x8: {  	s1 =	rddreg [dreg:$0x1];
	_ =	strace $0x80000047;
	s6 =	sor.u32 s7, s6  }
0x9: {  	s4 =	sadd.s32 s4, s5;
	s7 =	simm.s32 $0x1400;
	s6 =	sshrl.u32 s6, $0x3  }
0xa: {  	s5 =	sadd.s32 s6, s5;
	s6 =	ssub.s32 s3, s31;
	s3 =	sadd.s32 $0x1000, s4  }
0xb: {  	v0 =	vimm.f32 $0.0e+00;
	v1 =	vimm.f32 $1.000000000e+00;
	s4 =	sadd.s32 $0x6000, s5;
	s5 =	smax.u32 s6, $0x1;
	s6 =	simm.s32 $0x1  }
.LBB2_1:
0xc: {  	[tilespmem:s2], [sflag:$0x1] =	stream.linear.gather [hbm4b:s3+s2], $0x1400, $0x38;
	[tilespmem:$0x3C00] =	vst v63  }
0xd: {  	_ =	swait.ge [sflag:s6], $0x1400  }
0xe: {  	[sflag:s6] =	ssyncset.done $0x0  }
0xf: {  	s11 =	simm.s32 $0x0;
	[sflag:s6] =	ssyncadd.s32 $0xFFFFEC00  }
.LBB2_2:
0x10: {  	p0 =	sne.s32 s11, $0x9FC0  }
.Ltmp0:
0x11: {  	_ = 	snop;
	(pc) =	sbr.rel @p0 .LBB2_2-.Ltmp0, $3  }
0x12: {  	_ =	sdelay $0x1  }
0x13: {  	s12 =	sshra.s32 s11, $0x2  }
0x14: {  	s11 =	sadd.s32 $0x40, s11;
	[tilespmem:s12+$0x1400] =	vst v0  }
0x15: {  	s12 =	simm.s32 $0x0;
	s11 =	simm.s32 $0x40  }
.LBB2_4:
0x16: {  	p0 =	sne.s32 s11, $0x4FC0;
	v2 =	vld [tilespmem:s12+$0x0];
	_ =	sdelay $0x3  }
.Ltmp1:
0x17: {  	(pc) =	sbr.rel @p0 .LBB2_4-.Ltmp1, $2  }
0x18: {  	_ =	sdelay $0x2  }
0x19: {  	s12 =	sshra.s32 s11, $0x2;
	s11 =	sadd.s32 $0x40, s11;
	[tilespmem:v2+s7+$0x0] =	vst.idx.add.f32.msk $0xffff, v1  }
0x1a: {  	v2 =	vld [tilespmem:s12+$0x0];
	_ =	sdelay $0x5  }
0x1b: {  	s10 =	sadd.s32 $0x1, s10  }
0x1c: {  	p0 =	sne.s32 s10, s5  }
.Ltmp2:
0x1d: {  	[tilespmem:v2+s7+$0x0] =	vst.idx.add.f32.msk $0xffff, v1;
	(pc) =	sbr.rel @p0 .LBB2_1-.Ltmp2, $4  }
0x1e: {  	[hbm4b:s4+s8] =	stream.strided.scatter [tilespmem:s7], [sflag:$0x1], $0x2800, s9, s8, $0x38;
	[tilespmem:$0x3C00] =	vst v63  }
0x1f: {  	_ =	swait.ge [sflag:s6], $0x2800  }
0x20: {  	[sflag:s6] =	ssyncset.done $0x0  }
0x21: {  	[sflag:s6] =	ssyncadd.s32 $0xFFFFD800  }
0x22: {  	_ =	sfence.sel $0x180000  }
0x23: {  	[bflag:$0x0] =	sbarrier.arrive $0xFFFF  }
0x24: {  	p0 =	sne.s32 s0, $0x0;
	_ =	strace $0x90000047  }
0x25: {  	s0 =	sadd.s32 @!p0 $0x100000, s1;
	[bflag:$0x2] =	sbarrier.arrive $0xFFFF  }
0x26: {  	[sflag:s0] =	ssyncadd.tile.s32 @!p0 $0x1;
	_ =	shalt  }
.Lfunc_end2:
_tile_overlayer_lowered:
.L_overlay_start_2:
0x27: {  	(tag) =	ssettag $0x2  }
0x28: {  	s0 =	rddreg [dreg:$0x0];
	s2 =	stileid.u32  }
0x29: {  	s1 =	rddreg [dreg:$0x1];
	p0 =	sne.s32 s2, $0x0  }
0x2a: {  	s3 =	rddreg [dreg:$0x2];
	[bflag:$0x3] =	sbarrier.arrive $0xFFFF;
	s2 =	simm.s32 @!p0 $0x1C01  }
0x2b: {  	[timem:s3], [sflag:s2] =	dma.local @!p0 [hbm:s0], s1  }
0x2c: {  	s0 =	simm.s32 @!p0 $0x1  }
0x2d: {  	_ =	swait.ge @!p0 [sflag:s0], s1  }
0x2e: {  	s1 =	ssub.s32 @!p0 $0x0, s1;
	[sflag:s0] =	ssyncset.done @!p0 $0x0  }
0x2f: {  	[sflag:s0] =	ssyncadd.s32 @!p0 s1  }
0x30: {  	[bflag:$0x3] =	sbarrier.arrive $0xFFFF  }
0x31: {  	_ =	shalt  }

// kernel: kernel.9.cloned.1.call-start
scs
__scs_entry_jumppad:
0x0: {  	(pc) =	sbr.rel $0x88, $3  }
0x1: {  	(tag) =	ssettag $0x0;
	lr =	simm.s32 $0x1  }
0x2: {  	[smem:$0x3F9D] =	sst lr;
	_ =	strace $0xD0000000  }
0x3: {  	_ = 	snop  }
0x4: {  	_ = 	snop  }
0x5: {  	_ = 	snop  }
0x6: {  	_ = 	snop  }
0x7: {  	_ = 	snop  }
__scs_overlays_trampoline_lowered:
0x8: {  	[smem:$0x3FAC] =	sst s0  }
0x9: {  	[smem:$0x3FAD] =	sst s1  }
0xa: {  	[smem:$0x3FAE] =	sst s2  }
0xb: {  	[smem:$0x3FAF] =	sst s3  }
0xc: {  	[smem:$0x3FB0] =	sst s4  }
0xd: {  	[smem:$0x3FB1] =	sst s5  }
0xe: {  	[smem:$0x3FB2] =	sst s6  }
0xf: {  	[smem:$0x3FB3] =	sst s7  }
0x10: {  	[smem:$0x3FB4] =	sst s8  }
0x11: {  	[smem:$0x3FB5] =	sst s9;
	s0 =	simm.s32 @!p0 $0x0  }
0x12: {  	s1 =	sld [smem:$0x3F9B];
	s0 =	simm.s32 @p0 $0x1  }
0x13: {  	[smem:$0x3FB6] =	sst s0;
	s0 =	simm.s32 @!p1 $0x0  }
0x14: {  	s2 =	sld [smem:$0x3F9A];
	s0 =	simm.s32 @p1 $0x1  }
0x15: {  	[smem:$0x3FB7] =	sst s0;
	s0 =	simm.s32 @!p2 $0x0  }
0x16: {  	s3 =	sld [smem:$0x3FDB];
	s0 =	simm.s32 @p2 $0x1  }
0x17: {  	s4 =	simm.s32 $0x1BF5;
	[smem:$0x3FB9] =	sst s0  }
0x18: {  	s0 =	sld [smem:$0x3F9C];
	_ =	swait.ge [sflag:s4], $0x0  }
0x19: {  	s7 =	sld [smem:$0x3F9D]  }
0x1a: {  	s8 =	sadd.s32 $0xFFFFE003, lr  }
0x1b: {  	s9 =	sadd.s32 $0xFFFFFEF7, lr;
	s5 =	simm.s32 $0xFFFFFFFF;
	p2 =	slt.u32 s8, $0xFFFFF086  }
0x1c: {  	p1 =	slt.u32 s9, $0xF7A;
	s5 =	simm.s32 @!p2 $0x0  }
0x1d: {  	s5 =	simm.s32 @p1 $0x1;
	p0 =	seq.s32 s7, s2  }
0x1e: {  	s7 =	smul.u32 @!p0 $0xF7A, s2;
	p2 =	seq.s32 @!p0 s5, $0x0  }
0x1f: {  	s9 =	smul.u32 $0xF7A, s1;
	s8 =	simm.s32 @!p0 $0x1BF5;
	p2 =	por !p2, p0  }
0x20: {  	[sflag:s8] =	ssyncset.s32 @!p0 $0xFFFFF086;
	s6 =	sadd.s32 @!p0 s3, s7;
	s7 =	simm.s32 @!p0 $0x108  }
0x21: {  	s3 =	sadd.s32 s3, s9;
	s6 =	sadd.s32 @!p0 $0x88, s6;
	s7 =	simm.s32 @p2 $0x1082  }
0x22: {  	[simem:s7], [sflag:s8] =	dma.local @!p0 [hbm:s6], $0xF7A  }
0x23: {  	s9 =	sor.u32 $0xD0000000, s2;
	s6 =	simm.s32 $0x108;
	_ =	swait.ge @!p0 [sflag:s8], $0x0  }
0x24: {  	s3 =	sadd.s32 $0x88, s3;
	s6 =	simm.s32 @!p1 $0x1082;
	[sflag:s4] =	ssyncset.s32 $0xFFFFF086  }
0x25: {  	[simem:s6], [sflag:s4] =	dma.local [hbm:s3], $0xF7A  }
0x26: {  	[smem:$0x3F9D] =	sst s1;
	(tag) =	ssettag s2;
	_ =	strace s9  }
0x27: {  	s1 =	sld [smem:$0x3FAD]  }
0x28: {  	s2 =	sld [smem:$0x3FAE]  }
0x29: {  	s4 =	sld [smem:$0x3FB0]  }
0x2a: {  	p0 =	seq.s32 s5, $0x0;
	s5 =	sld [smem:$0x3FB1]  }
0x2b: {  	s6 =	sld [smem:$0x3FB2]  }
0x2c: {  	s7 =	sld [smem:$0x3FB3]  }
0x2d: {  	s3 =	simm.s32 $0x108;
	s8 =	sld [smem:$0x3FB4]  }
0x2e: {  	s3 =	simm.s32 @!p0 $0x1082;
	s9 =	sld [smem:$0x3FB5]  }
0x2f: {  	lr =	sadd.s32 s0, s3;
	s0 =	sld [smem:$0x3FAC]  }
0x30: {  	s3 =	sld [smem:$0x3FAF]  }
0x31: {  	[smem:$0x3FB8] =	sst s10  }
0x32: {  	s10 =	sld [smem:$0x3FB6];
	_ =	sdelay $0x3  }
0x33: {  	p0 =	seq.s32 s10, $0x1;
	s10 =	sld [smem:$0x3FB8];
	_ =	sdelay $0x3  }
0x34: {  	[smem:$0x3FB8] =	sst s10  }
0x35: {  	s10 =	sld [smem:$0x3FB7];
	_ =	sdelay $0x3  }
0x36: {  	p1 =	seq.s32 s10, $0x1;
	s10 =	sld [smem:$0x3FB8];
	_ =	sdelay $0x3  }
0x37: {  	[smem:$0x3FB8] =	sst s10  }
0x38: {  	s10 =	sld [smem:$0x3FB9]  }
0x39: {  	_ = 	snop;
	(pc) =	sbr.ind lr, $3  }
0x3a: {  	_ = 	snop  }
0x3b: {  	_ = 	snop  }
0x3c: {  	p2 =	seq.s32 s10, $0x1;
	s10 =	sld [smem:$0x3FB8]  }
0x3d: {  	_ =	shalt  }
0x3e: {  	_ =	shalt  }
0x3f: {  	_ =	shalt  }
0x40: {  	_ =	shalt  }
0x41: {  	_ =	shalt  }
0x42: {  	_ =	shalt  }
0x43: {  	_ =	shalt  }
0x44: {  	_ =	shalt  }
0x45: {  	_ =	shalt  }
0x46: {  	_ =	shalt  }
0x47: {  	_ =	shalt  }
0x48: {  	_ =	shalt  }
0x49: {  	_ =	shalt  }
0x4a: {  	_ =	shalt  }
0x4b: {  	_ =	shalt  }
0x4c: {  	_ =	shalt  }
0x4d: {  	_ =	shalt  }
0x4e: {  	_ =	shalt  }
0x4f: {  	_ =	shalt  }
0x50: {  	_ =	shalt  }
0x51: {  	_ =	shalt  }
0x52: {  	_ =	shalt  }
0x53: {  	_ =	shalt  }
0x54: {  	_ =	shalt  }
0x55: {  	_ =	shalt  }
0x56: {  	_ =	shalt  }
0x57: {  	_ =	shalt  }
0x58: {  	_ =	shalt  }
0x59: {  	_ =	shalt  }
0x5a: {  	_ =	shalt  }
0x5b: {  	_ =	shalt  }
0x5c: {  	_ =	shalt  }
0x5d: {  	_ =	shalt  }
0x5e: {  	_ =	shalt  }
0x5f: {  	_ =	shalt  }
0x60: {  	_ =	shalt  }
0x61: {  	_ =	shalt  }
0x62: {  	_ =	shalt  }
0x63: {  	_ =	shalt  }
0x64: {  	_ =	shalt  }
0x65: {  	_ =	shalt  }
0x66: {  	_ =	shalt  }
0x67: {  	_ =	shalt  }
0x68: {  	_ =	shalt  }
0x69: {  	_ =	shalt  }
0x6a: {  	_ =	shalt  }
0x6b: {  	_ =	shalt  }
0x6c: {  	_ =	shalt  }
0x6d: {  	_ =	shalt  }
0x6e: {  	_ =	shalt  }
0x6f: {  	_ =	shalt  }
0x70: {  	_ =	shalt  }
0x71: {  	_ =	shalt  }
0x72: {  	_ =	shalt  }
0x73: {  	_ =	shalt  }
0x74: {  	_ =	shalt  }
0x75: {  	_ =	shalt  }
0x76: {  	_ =	shalt  }
0x77: {  	_ =	shalt  }
0x78: {  	_ =	shalt  }
0x79: {  	_ =	shalt  }
0x7a: {  	_ =	shalt  }
0x7b: {  	_ =	shalt  }
0x7c: {  	_ =	shalt  }
0x7d: {  	_ =	shalt  }
0x7e: {  	_ =	shalt  }
0x7f: {  	_ =	shalt  }
0x80: {  	_ =	shalt  }
0x81: {  	_ =	shalt  }
0x82: {  	_ =	shalt  }
0x83: {  	_ =	shalt  }
0x84: {  	_ =	shalt  }
0x85: {  	_ =	shalt  }
0x86: {  	_ =	shalt  }
0x87: {  	_ =	shalt  }
.Lfunc_end0:
.L_simem_size_0:
called_computation.1_lowered:
.L_overlay_start_0:
0x88: {  	s2 =	sld [smem:$0x3FD9]  }
0x89: {  	s3 =	sld [smem:$0x3FFE];
	_ =	sdelay $0x1  }
0x8a: {  	s1 =	srdreg.scid  }
0x8b: {  	s0 =	sand.u32 $0x1, s1  }
0x8c: {  	s17 =	sshll.u32 s0, $0xA;
	s2 =	sadd.s32 s3, s2  }
0x8d: {  	s2 =	sadd.s32 s2, s17  }
0x8e: {  	[smem:$0x3FC4] =	sst s2  }
0x8f: {  	_ = 	snop  }
0x90: {  	s2 =	sld [smem:$0x3FD0];
	(tm) =	ssettm $0x1  }
0x91: {  	s18 =	sld [smem:$0x3FFB];
	_ =	sdelay $0x3  }
0x92: {  	_ =	strace s18  }
0x93: {  	s3 =	sld [smem:$0x3FFC];
	_ =	sdelay $0x3  }
0x94: {  	_ =	strace s3  }
0x95: {  	s3 =	sld [smem:$0x3FFD];
	_ =	sdelay $0x3  }
0x96: {  	_ =	strace s3  }
0x97: {  	_ =	strace $0x8FFFFFFF  }
0x98: {  	s19 =	sld [smem:$0x3FDB];
	_ =	sdelay $0x1  }
0x99: {  	s4 =	simm.s32 $_scs_section_size  }
0x9a: {  	s5 =	simm.s32 $_size__tile_overlayer_lowered;
	s6 =	simm.s32 $_tile_overlayer_lowered  }
0x9b: {  	s22 =	simm.s32 $0x1BFF;
	s21 =	sshll.u32 s6, $0x1;
	s3 =	sadd.s32 s4, s19  }
0x9c: {  	s7 =	simm.s32 $0x0;
	s20 =	sshll.u32 s5, $0x1;
	s5 =	sadd.s32 s21, s3  }
0x9d: {  	[timem:s7], [sflag:s22] =	dma.local [hbm:s5], s20  }
0x9e: {  	_ =	swait.ge [sflag:s22], s20  }
0x9f: {  	s4 =	ssub.s32 $0x0, s20;
	[sflag:s22] =	ssyncset.done $0x0  }
0xa0: {  	[sflag:s22] =	ssyncadd.s32 s4;
	_ =	sdelay $0x1  }
0xa1: {  	s23 =	simm.s32 $0x1B8B  }
0xa2: {  	_ =	swait.ge [sflag:s23], $0x1  }
0xa3: {  	[sflag:s23] =	ssyncset.done $0x0  }
0xa4: {  	s25 =	simm.s32 $0x1B8E;
	s24 =	sld [smem:$0x3FFE];
	[sflag:s23] =	ssyncadd.s32 $0xFFFFFFFF  }
0xa5: {  	s26 =	simm.s32 $execute0_lowered;
	[smem:$0x3FD2] =	sst s25  }
0xa6: {  	s5 =	sshll.u32 s26, $0x1;
	_ =	strace $0x80000049;
	[dreg:$0x1] =	wrdreg $0xFFFFFFFF  }
0xa7: {  	s28 =	simm.s32 $_size_execute0_lowered;
	s3 =	sadd.s32 s3, s5;
	[dreg:$0x0] =	wrdreg $0x0  }
0xa8: {  	s5 =	sshll.u32 s28, $0x1;
	[dreg:$0x2] =	wrdreg s3  }
0xa9: {  	[dreg:$0x3] =	wrdreg s5  }
0xaa: {  	[dreg:$0x4] =	wrdreg $0xC0  }
0xab: {  	_ =	task [dreg:s7], $0x5FFFF  }
0xac: {  	[dreg:$0x1] =	wrdreg $0xFFFFFFFF  }
0xad: {  	[dreg:$0x0] =	wrdreg $0x60  }
0xae: {  	[dreg:$0x2] =	wrdreg s24  }
0xaf: {  	[dreg:$0x3] =	wrdreg s2  }
0xb0: {  	[dreg:$0x4] =	wrdreg $0x8C000  }
0xb1: {  	[dreg:$0x5] =	wrdreg $0x9  }
0xb2: {  	_ =	task.clear_ibuf [dreg:s7], $0x6FFFF;
	_ =	strace $0x90000049  }
0xb3: {  	s29 =	simm.s32 $0x9;
	_ =	strace $0x8000004B  }
0xb4: {  	_ =	swait.ge [sflag:s29], $0x1  }
0xb5: {  	[sflag:s29] =	ssyncadd.s32 $0xFFFFFFFF  }
0xb6: {  	_ =	strace $0x9000004B  }
0xb7: {  	_ =	sfence  }
0xb8: {  	s30 =	sld [smem:$0x0];
	_ =	sdelay $0x2  }
0xb9: {  	s31 =	sshll.u32 s1, $0xD;
	s1 =	sshrl.u32 s1, $0x2  }
0xba: {  	s3 =	sand.u32 $0x4000, s31;
	s1 =	sadd.s32 s1, s30  }
0xbb: {  	s0 =	sor.u32 s3, s0;
	s1 =	sshll.u32 s1, $0x11  }
0xbc: {  	s0 =	sor.u32 s1, s0  }
0xbd: {  	s0 =	sadd.s32 $0x8F2B, s0  }
0xbe: {  	[sflag:s0] =	ssyncadd.remote.s32 $0x1  }
0xbf: {  	_ =	sfence.sel $0xFFFF  }
0xc0: {  	[dreg:$0x0] =	wrdreg $0xFFFFFFFF;
	(pc) =	sbr.abs _section_cstart, $3  }
0xc1: {  	[dreg:$0x1] =	wrdreg $0xFFFFFFFF  }
0xc2: {  	_ =	task.clear_ibuf [dreg:s7], $0x2FFFF;
	_ =	strace $0x9FFFFFFF  }
0xc3: {  	(tm) =	ssettm $0x7FFFFFFF  }
tec
execute0_lowered:
.L_overlay_start_1:
0x0: {  	(tag) =	ssettag $0x1  }
0x1: {  	s0 =	rddreg [dreg:$0x0]  }
0x2: {  	s1 =	rddreg [dreg:$0x1]  }
0x3: {  	s2 =	rddreg [dreg:$0x2]  }
0x4: {  	s3 =	srdreg.scid;
	s4 =	simm.s32 $0x0;
	s13 =	stileid.u32  }
0x5: {  	s17 =	simm.s32 $0xC0;
	s18 =	simm.s32 $0x500;
	s19 =	simm.s32 $0x580  }
0x6: {  	s20 =	simm.s32 $0x140;
	s21 =	simm.s32 $0x600;
	s28 =	simm.s32 $0x400  }
0x7: {  	s29 =	simm.s32 $0x40;
	s3 =	sand.u32 $0x1, s3;
	[smem:$0x7FF] =	sst s4  }
0x8: {  	s8 =	smul.u32 $0x14000, s13;
	s5 =	sadd.s32 $0x1A000, s0;
	s9 =	sadd.s32 $0x10000, s0  }
0x9: {  	s10 =	smul.u32 $0x50000, s13;
	_ =	strace $0x8000004A;
	[dreg:$0x5] =	wrdreg s17  }
0xa: {  	s6 =	sadd.s32 $0x1000, s0;
	s11 =	smul.u32 $0x5000, s13;
	[dreg:$0x6] =	wrdreg s18  }
0xb: {  	s25 =	sshll.u32 s13, $0x6;
	s7 =	smul.u32 $0x140000, s3;
	[dreg:$0x7] =	wrdreg s19  }
0xc: {  	s22 =	ssub.s32 $0x2, s3;
	s3 =	sshll.u32 s3, $0x7;
	[dreg:$0x8] =	wrdreg s20  }
0xd: {  	[dreg:$0x9] =	wrdreg s21;
	s20 =	simm.s32 $0x280;
	s21 =	simm.s32 $0x880  }
0xe: {  	s24 =	sshrl.u32 s10, $0x2;
	s3 =	sor.u32 s3, s11;
	[dreg:$0x10] =	wrdreg s20  }
0xf: {  	[dreg:$0x11] =	wrdreg s21;
	s20 =	simm.s32 $0x380;
	s7 =	sadd.s32 s8, s7  }
0x10: {  	s15 =	sadd.s32 s24, s2;
	s24 =	simm.s32 $0x1C0;
	[dreg:$0x18] =	wrdreg s20  }
0x11: {  	s8 =	sor.u32 $0x1C04, s25;
	s25 =	simm.s32 $0x700;
	[dreg:$0xc] =	wrdreg s24  }
0x12: {  	s13 =	smul.u32 $0xA00, s13;
	s26 =	sshrl.u32 s3, $0x3;
	[dreg:$0xd] =	wrdreg s25  }
0x13: {  	s12 =	sor.u32 $0x400, s3;
	s3 =	sor.u32 $0x800, s3;
	[dreg:$0x1c] =	wrdreg s15  }
0x14: {  	s23 =	sshrl.u32 s22, $0x1;
	s10 =	sadd.s32 s1, s26;
	[smem:$0x7F4] =	sst s3  }
0x15: {  	s11 =	sshrl.u32 s11, $0x3;
	s26 =	simm.s32 $0x780;
	[dreg:$0x1d] =	wrdreg s10  }
0x16: {  	s7 =	sshrl.u32 s7, $0x3;
	s24 =	simm.s32 $0x900;
	[dreg:$0xe] =	wrdreg s26  }
0x17: {  	s14 =	sshrl.u32 s12, $0x3;
	s10 =	sadd.s32 s9, s11;
	[dreg:$0x13] =	wrdreg s24  }
0x18: {  	s0 =	sadd.s32 s7, s0;
	s16 =	sadd.s32 s14, s1;
	[dreg:$0x1e] =	wrdreg s10  }
0x19: {  	s7 =	ssub.s32 s22, s23;
	s22 =	simm.s32 $0x180;
	[dreg:$0x4] =	wrdreg s16  }
0x1a: {  	s13 =	sadd.s32 s13, s9;
	s23 =	simm.s32 $0x680;
	[dreg:$0xa] =	wrdreg s22  }
0x1b: {  	s12 =	sadd.s32 $0x8000, s15;
	s26 =	simm.s32 $0x300;
	[dreg:$0xb] =	wrdreg s23  }
0x1c: {  	s17 =	sadd.s32 $0xE000, s15;
	s9 =	simm.s32 $0x980;
	[dreg:$0x14] =	wrdreg s26  }
0x1d: {  	s18 =	sadd.s32 $0x10000, s15;
	s21 =	sshrl.u32 s17, $0x3;
	[dreg:$0x15] =	wrdreg s9  }
0x1e: {  	s19 =	sadd.s32 $0x12000, s15;
	s24 =	simm.s32 $0x3C0;
	[smem:$0x7FB] =	sst s21  }
0x1f: {  	s11 =	sadd.s32 $0x6000, s15;
	s0 =	sadd.s32 $0x6A000, s0;
	[dreg:$0x1a] =	wrdreg s24  }
0x20: {  	s14 =	sadd.s32 $0xA000, s15;
	s7 =	smax.u32 s7, $0x1;
	[dreg:$0x1f] =	wrdreg s0  }
0x21: {  	s10 =	sadd.s32 $0x4000, s15;
	s22 =	simm.s32 $0x2C0;
	[smem:$0x7F3] =	sst s7  }
0x22: {  	s16 =	sadd.s32 $0xC000, s15;
	s26 =	simm.s32 $0xB00;
	[dreg:$0x12] =	wrdreg s22  }
0x23: {  	s7 =	sadd.s32 $0x2000, s15;
	s15 =	simm.s32 $0x240;
	[dreg:$0x1b] =	wrdreg s26  }
0x24: {  	s30 =	simm.s32 $0xC00;
	s25 =	sshrl.u32 s10, $0x3;
	[dreg:$0xf] =	wrdreg s15  }
0x25: {  	s31 =	simm.s32 $0x2C00;
	s10 =	sshrl.u32 s12, $0x3;
	[smem:$0x7F6] =	sst s25  }
0x26: {  	s3 =	simm.s32 $0x6C00;
	s12 =	sshrl.u32 s14, $0x3;
	[smem:$0x7F8] =	sst s10  }
0x27: {  	s17 =	simm.s32 $0x0;
	s16 =	sshrl.u32 s16, $0x3;
	[smem:$0x7F9] =	sst s12  }
0x28: {  	s9 =	simm.s32 $0x4C00;
	s14 =	simm.s32 $0xA00;
	[smem:$0x7FA] =	sst s16  }
0x29: {  	s22 =	simm.s32 $0xA80;
	s26 =	simm.s32 $0x100;
	[dreg:$0x17] =	wrdreg s14  }
0x2a: {  	s0 =	simm.s32 $0x2;
	s23 =	sshrl.u32 s7, $0x3;
	[dreg:$0x19] =	wrdreg s22  }
0x2b: {  	s15 =	simm.s32 $0x4;
	s7 =	sshrl.u32 s11, $0x3;
	[smem:$0x7F5] =	sst s23  }
0x2c: {  	s11 =	simm.s32 $0x340;
	s25 =	sshrl.u32 s19, $0x3;
	[smem:$0x7F7] =	sst s7  }
0x2d: {  	s10 =	simm.s32 $0x3;
	s12 =	simm.s32 $0x800;
	[dreg:$0x16] =	wrdreg s11  }
0x2e: {  	s16 =	simm.s32 $0x1;
	s23 =	sshrl.u32 s18, $0x3;
	[smem:$0x7FD] =	sst s25  }
0x2f: {  	s25 =	simm.s32 $0x80;
	s11 =	simm.s32 $0x200;
	[smem:$0x7FC] =	sst s23  }
.LBB2_1:
0x30: {  	s7 =	rddreg [dreg:$0x1c]  }
0x31: {  	s7 =	sshrl.u32 s7, $0x3  }
0x32: {  	[smem:$0x7F2] =	sst s7  }
0x33: {  	[spmem:s7], [sflag:s8] =	dma.local [hbm:s6], $0x400  }
0x34: {  	_ =	swait.ge [sflag:s15], $0x400  }
0x35: {  	s18 =	sld [smem:$0x7F5]  }
0x36: {  	[sflag:s15] =	ssyncset.done $0x0  }
0x37: {  	[sflag:s15] =	ssyncadd.s32 $0xFFFFFC00  }
0x38: {  	[spmem:s18], [sflag:s8] =	dma.local [hbm:s6], $0x400  }
0x39: {  	_ =	swait.ge [sflag:s15], $0x400  }
0x3a: {  	s19 =	sld [smem:$0x7F6]  }
0x3b: {  	[sflag:s15] =	ssyncset.done $0x0  }
0x3c: {  	[sflag:s15] =	ssyncadd.s32 $0xFFFFFC00  }
0x3d: {  	[spmem:s19], [sflag:s8] =	dma.local [hbm:s6], $0x400  }
0x3e: {  	_ =	swait.ge [sflag:s15], $0x400  }
0x3f: {  	s20 =	sld [smem:$0x7F7]  }
0x40: {  	[sflag:s15] =	ssyncset.done $0x0  }
0x41: {  	[sflag:s15] =	ssyncadd.s32 $0xFFFFFC00  }
0x42: {  	[spmem:s20], [sflag:s8] =	dma.local [hbm:s6], $0x400  }
0x43: {  	_ =	swait.ge [sflag:s15], $0x400  }
0x44: {  	s21 =	sld [smem:$0x7F8]  }
0x45: {  	[sflag:s15] =	ssyncset.done $0x0  }
0x46: {  	[sflag:s15] =	ssyncadd.s32 $0xFFFFFC00  }
0x47: {  	[spmem:s21], [sflag:s8] =	dma.local [hbm:s6], $0x400  }
0x48: {  	_ =	swait.ge [sflag:s15], $0x400  }
0x49: {  	s22 =	sld [smem:$0x7F9]  }
0x4a: {  	[sflag:s15] =	ssyncset.done $0x0  }
0x4b: {  	[sflag:s15] =	ssyncadd.s32 $0xFFFFFC00  }
0x4c: {  	[spmem:s22], [sflag:s8] =	dma.local [hbm:s6], $0x400  }
0x4d: {  	_ =	swait.ge [sflag:s15], $0x400  }
0x4e: {  	s23 =	sld [smem:$0x7FA]  }
0x4f: {  	[sflag:s15] =	ssyncset.done $0x0  }
0x50: {  	[sflag:s15] =	ssyncadd.s32 $0xFFFFFC00  }
0x51: {  	[spmem:s23], [sflag:s8] =	dma.local [hbm:s6], $0x400  }
0x52: {  	_ =	swait.ge [sflag:s15], $0x400  }
0x53: {  	s24 =	sld [smem:$0x7FB]  }
0x54: {  	[sflag:s15] =	ssyncset.done $0x0  }
0x55: {  	[sflag:s15] =	ssyncadd.s32 $0xFFFFFC00  }
0x56: {  	[spmem:s24], [sflag:s8] =	dma.local [hbm:s6], $0x400  }
0x57: {  	_ =	swait.ge [sflag:s15], $0x400  }
0x58: {  	s14 =	sld [smem:$0x7FC]  }
0x59: {  	[sflag:s15] =	ssyncset.done $0x0  }
0x5a: {  	[sflag:s15] =	ssyncadd.s32 $0xFFFFFC00  }
0x5b: {  	[spmem:s14], [sflag:s8] =	dma.local [hbm:s6], $0x400  }
0x5c: {  	_ =	swait.ge [sflag:s15], $0x400  }
0x5d: {  	s18 =	sld [smem:$0x7FD]  }
0x5e: {  	[sflag:s15] =	ssyncset.done $0x0  }
0x5f: {  	[sflag:s15] =	ssyncadd.s32 $0xFFFFFC00  }
0x60: {  	[spmem:s18], [sflag:s8] =	dma.local [hbm:s6], $0x400  }
0x61: {  	_ =	swait.ge [sflag:s15], $0x400  }
0x62: {  	[sflag:s15] =	ssyncset.done $0x0  }
0x63: {  	s19 =	rddreg [dreg:$0x1d];
	[sflag:s15] =	ssyncadd.s32 $0xFFFFFC00  }
0x64: {  	[tilespmem:s4], [sflag:$0x1] =	stream.strided.gather [hbm4b:s19+s25], $0x200, s26, s25, $0x38;
	[tilespmem:$0x1CC00] =	vst v63  }
0x65: {  	s20 =	rddreg [dreg:$0x1e]  }
0x66: {  	[tilespmem:s28], [sflag:$0x1] =	stream.linear.gather [hbm4b:s20+s4], $0x400, $0x38;
	[tilespmem:$0x1CC00] =	vst v63  }
0x67: {  	_ =	swait.ge [sflag:s16], $0x200  }
0x68: {  	[sflag:s16] =	ssyncset.done $0x0  }
0x69: {  	[sflag:s16] =	ssyncadd.s32 $0xFFFFFE00  }
0x6a: {  	_ =	swait.ge [sflag:s16], $0x400  }
0x6b: {  	[sflag:s16] =	ssyncset.done $0x0  }
0x6c: {  	[sflag:s16] =	ssyncadd.s32 $0xFFFFFC00  }
0x6d: {  	[tilespmem:s30], [sflag:$0x2] =	stream.indirect.gather [hbm4b:s5+s29], $0x80, s4, s29, $0xb8;
	[tilespmem:$0x1CC00] =	vst v63  }
0x6e: {  	_ = 	snop  }
0x6f: {  	[tilespmem:s31], [sflag:$0x2] =	stream.indirect.gather [hbm4b:s5+s29], $0x80, s29, s29, $0xb8;
	[tilespmem:$0x1CC00] =	vst v63  }
0x70: {  	_ =	swait.ge [sflag:s0], $0x2000  }
0x71: {  	p0 =	por $0x1, $0x1;
	[sflag:s0] =	ssyncset.done $0x0  }
0x72: {  	s7 =	simm.s32 @p0 $0x80;
	[sflag:s0] =	ssyncadd.s32 $0xFFFFE000  }
0x73: {  	[spmem:s2] =	stream.indirect.scatter.add.f32 [tilespmem:s30], [sflag:$0x3], $0x80, s28, s29, $0xb8;
	[tilespmem:$0x1CC00] =	vst v63  }
0x74: {  	s14 =	simm.s32 @p0 $0x4C00;
	s19 =	simm.s32 @p0 $0x40;
	s20 =	simm.s32 @p0 $0x2  }
0x75: {  	[tilespmem:s14], [sflag:$0x2] =	stream.indirect.gather @p0 [hbm4b:s5+s19], $0x80, s7, s19, $0xb8;
	[tilespmem:$0x1CC00] =	vst v63  }
0x76: {  	_ =	swait.ge @p0 [sflag:s20], $0x2000  }
0x77: {  	s22 =	simm.s32 @!p0 $0x3;
	[sflag:s20] =	ssyncset.done @p0 $0x0  }
0x78: {  	s7 =	simm.s32 @p0 $0x480;
	s14 =	simm.s32 @p0 $0x2C00;
	[sflag:s20] =	ssyncadd.s32 @p0 $0xFFFFE000  }
0x79: {  	[spmem:s2] =	stream.indirect.scatter.add.f32 @p0 [tilespmem:s14], [sflag:$0x3], $0x80, s7, s19, $0xb8;
	[tilespmem:$0x1CC00] =	vst v63  }
0x7a: {  	_ =	swait.ge @!p0 [sflag:s22], $0x2000  }
0x7b: {  	s20 =	simm.s32 @!p0 $0x4C00;
	s7 =	simm.s32 @!p0 $0x40;
	[sflag:s22] =	ssyncset.done @!p0 $0x0  }
0x7c: {  	s14 =	simm.s32 @!p0 $0x80;
	s19 =	simm.s32 @!p0 $0x2;
	[sflag:s22] =	ssyncadd.s32 @!p0 $0xFFFFE000  }
0x7d: {  	[tilespmem:s20], [sflag:$0x2] =	stream.indirect.gather @!p0 [hbm4b:s5+s7], $0x80, s14, s7, $0xb8;
	[tilespmem:$0x1CC00] =	vst v63  }
0x7e: {  	_ =	swait.ge @!p0 [sflag:s19], $0x2000  }
0x7f: {  	[sflag:s19] =	ssyncset.done @!p0 $0x0  }
0x80: {  	s14 =	simm.s32 @!p0 $0x480;
	s20 =	simm.s32 @!p0 $0x2C00;
	[sflag:s19] =	ssyncadd.s32 @!p0 $0xFFFFE000  }
0x81: {  	[spmem:s2] =	stream.indirect.scatter.add.f32 @!p0 [tilespmem:s20], [sflag:$0x3], $0x80, s14, s7, $0xb8;
	[tilespmem:$0x1CC00] =	vst v63  }
0x82: {  	_ =	swait.ge @!p0 [sflag:s22], $0x2000  }
0x83: {  	[sflag:s22] =	ssyncset.done @!p0 $0x0  }
0x84: {  	s21 =	rddreg [dreg:$0x5];
	[sflag:s22] =	ssyncadd.s32 @!p0 $0xFFFFE000  }
0x85: {  	[tilespmem:s3], [sflag:$0x2] =	stream.indirect.gather [hbm4b:s5+s29], $0x80, s21, s29, $0xb8;
	[tilespmem:$0x1CC00] =	vst v63  }
0x86: {  	_ =	swait.ge [sflag:s0], $0x2000  }
0x87: {  	[sflag:s0] =	ssyncset.done $0x0  }
0x88: {  	s22 =	rddreg [dreg:$0x6];
	[sflag:s0] =	ssyncadd.s32 $0xFFFFE000  }
0x89: {  	[spmem:s2] =	stream.indirect.scatter.add.f32 [tilespmem:s9], [sflag:$0x3], $0x80, s22, s29, $0xb8;
	[tilespmem:$0x1CC00] =	vst v63  }
0x8a: {  	_ =	swait.ge [sflag:s10], $0x2000  }
0x8b: {  	s23 =	rddreg [dreg:$0x4];
	[sflag:s10] =	ssyncset.done $0x0  }
0x8c: {  	s24 =	sadd.s32 $0x0, s13;
	[sflag:s10] =	ssyncadd.s32 $0xFFFFE000;
	s7 =	sadd.s32 $0x0, s23  }
0x8d: {  	[tilespmem:s11], [sflag:$0x1] =	stream.strided.gather [hbm4b:s7+s25], $0x200, s26, s25, $0x38;
	[tilespmem:$0x1CC00] =	vst v63  }
0x8e: {  	s18 =	sadd.s32 $0x80, s24  }
0x8f: {  	[tilespmem:s12], [sflag:$0x1] =	stream.linear.gather [hbm4b:s18+s4], $0x400, $0x38;
	[tilespmem:$0x1CC00] =	vst v63  }
0x90: {  	_ = 	snop  }
0x91: {  	[tilespmem:s30], [sflag:$0x2] =	stream.indirect.gather [hbm4b:s5+s29], $0x80, s26, s29, $0xb8;
	[tilespmem:$0x1CC00] =	vst v63  }
0x92: {  	_ =	swait.ge [sflag:s0], $0x2000  }
0x93: {  	[sflag:s0] =	ssyncset.done $0x0  }
0x94: {  	s19 =	rddreg [dreg:$0x7];
	[sflag:s0] =	ssyncadd.s32 $0xFFFFE000  }
0x95: {  	[spmem:s2] =	stream.indirect.scatter.add.f32 [tilespmem:s3], [sflag:$0x3], $0x80, s19, s29, $0xb8;
	[tilespmem:$0x1CC00] =	vst v63  }
0x96: {  	_ =	swait.ge [sflag:s10], $0x2000  }
0x97: {  	[sflag:s10] =	ssyncset.done $0x0  }
0x98: {  	s20 =	rddreg [dreg:$0x8];
	[sflag:s10] =	ssyncadd.s32 $0xFFFFE000  }
0x99: {  	[tilespmem:s31], [sflag:$0x2] =	stream.indirect.gather [hbm4b:s5+s29], $0x80, s20, s29, $0xb8;
	[tilespmem:$0x1CC00] =	vst v63  }
0x9a: {  	_ =	swait.ge [sflag:s0], $0x2000  }
0x9b: {  	[sflag:s0] =	ssyncset.done $0x0  }
0x9c: {  	s21 =	rddreg [dreg:$0x9];
	[sflag:s0] =	ssyncadd.s32 $0xFFFFE000  }
0x9d: {  	[spmem:s2] =	stream.indirect.scatter.add.f32 [tilespmem:s30], [sflag:$0x3], $0x80, s21, s29, $0xb8;
	[tilespmem:$0x1CC00] =	vst v63  }
0x9e: {  	_ =	swait.ge [sflag:s10], $0x2000  }
0x9f: {  	[sflag:s10] =	ssyncset.done $0x0  }
0xa0: {  	s22 =	rddreg [dreg:$0xa];
	[sflag:s10] =	ssyncadd.s32 $0xFFFFE000  }
0xa1: {  	[tilespmem:s9], [sflag:$0x2] =	stream.indirect.gather [hbm4b:s5+s29], $0x80, s22, s29, $0xb8;
	[tilespmem:$0x1CC00] =	vst v63  }
0xa2: {  	_ =	swait.ge [sflag:s0], $0x2000  }
0xa3: {  	[sflag:s0] =	ssyncset.done $0x0  }
0xa4: {  	s23 =	rddreg [dreg:$0xb];
	[sflag:s0] =	ssyncadd.s32 $0xFFFFE000  }
0xa5: {  	[spmem:s2] =	stream.indirect.scatter.add.f32 [tilespmem:s31], [sflag:$0x3], $0x80, s23, s29, $0xb8;
	[tilespmem:$0x1CC00] =	vst v63  }
0xa6: {  	_ =	swait.ge [sflag:s10], $0x2000  }
0xa7: {  	[sflag:s10] =	ssyncset.done $0x0  }
0xa8: {  	s24 =	rddreg [dreg:$0xc];
	[sflag:s10] =	ssyncadd.s32 $0xFFFFE000  }
0xa9: {  	[tilespmem:s3], [sflag:$0x2] =	stream.indirect.gather [hbm4b:s5+s29], $0x80, s24, s29, $0xb8;
	[tilespmem:$0x1CC00] =	vst v63  }
0xaa: {  	_ =	swait.ge [sflag:s0], $0x2000  }
0xab: {  	[sflag:s0] =	ssyncset.done $0x0  }
0xac: {  	s14 =	rddreg [dreg:$0xd];
	[sflag:s0] =	ssyncadd.s32 $0xFFFFE000  }
0xad: {  	[spmem:s2] =	stream.indirect.scatter.add.f32 [tilespmem:s9], [sflag:$0x3], $0x80, s14, s29, $0xb8;
	[tilespmem:$0x1CC00] =	vst v63  }
0xae: {  	_ =	swait.ge [sflag:s10], $0x2000  }
0xaf: {  	[sflag:s10] =	ssyncset.done $0x0  }
0xb0: {  	[sflag:s10] =	ssyncadd.s32 $0xFFFFE000  }
0xb1: {  	_ =	swait.ge [sflag:s16], $0x200  }
0xb2: {  	[sflag:s16] =	ssyncset.done $0x0  }
0xb3: {  	[sflag:s16] =	ssyncadd.s32 $0xFFFFFE00  }
0xb4: {  	_ =	swait.ge [sflag:s16], $0x400  }
0xb5: {  	[sflag:s16] =	ssyncset.done $0x0  }
0xb6: {  	[sflag:s16] =	ssyncadd.s32 $0xFFFFFC00  }
0xb7: {  	[tilespmem:s30], [sflag:$0x2] =	stream.indirect.gather [hbm4b:s5+s29], $0x80, s11, s29, $0xb8;
	[tilespmem:$0x1CC00] =	vst v63  }
0xb8: {  	_ =	swait.ge [sflag:s0], $0x2000  }
0xb9: {  	[sflag:s0] =	ssyncset.done $0x0  }
0xba: {  	s18 =	rddreg [dreg:$0xe];
	[sflag:s0] =	ssyncadd.s32 $0xFFFFE000  }
0xbb: {  	[spmem:s2] =	stream.indirect.scatter.add.f32 [tilespmem:s3], [sflag:$0x3], $0x80, s18, s29, $0xb8;
	[tilespmem:$0x1CC00] =	vst v63  }
0xbc: {  	_ =	swait.ge [sflag:s10], $0x2000  }
0xbd: {  	[sflag:s10] =	ssyncset.done $0x0  }
0xbe: {  	s19 =	rddreg [dreg:$0xf];
	[sflag:s10] =	ssyncadd.s32 $0xFFFFE000  }
0xbf: {  	[tilespmem:s31], [sflag:$0x2] =	stream.indirect.gather [hbm4b:s5+s29], $0x80, s19, s29, $0xb8;
	[tilespmem:$0x1CC00] =	vst v63  }
0xc0: {  	_ =	swait.ge [sflag:s0], $0x2000  }
0xc1: {  	[sflag:s0] =	ssyncset.done $0x0  }
0xc2: {  	[sflag:s0] =	ssyncadd.s32 $0xFFFFE000  }
0xc3: {  	[spmem:s2] =	stream.indirect.scatter.add.f32 [tilespmem:s30], [sflag:$0x3], $0x80, s12, s29, $0xb8;
	[tilespmem:$0x1CC00] =	vst v63  }
0xc4: {  	_ =	swait.ge [sflag:s10], $0x2000  }
0xc5: {  	[sflag:s10] =	ssyncset.done $0x0  }
0xc6: {  	s20 =	rddreg [dreg:$0x10];
	[sflag:s10] =	ssyncadd.s32 $0xFFFFE000  }
0xc7: {  	[tilespmem:s9], [sflag:$0x2] =	stream.indirect.gather [hbm4b:s5+s29], $0x80, s20, s29, $0xb8;
	[tilespmem:$0x1CC00] =	vst v63  }
0xc8: {  	_ =	swait.ge [sflag:s0], $0x2000  }
0xc9: {  	[sflag:s0] =	ssyncset.done $0x0  }
0xca: {  	s21 =	rddreg [dreg:$0x11];
	[sflag:s0] =	ssyncadd.s32 $0xFFFFE000  }
0xcb: {  	[spmem:s2] =	stream.indirect.scatter.add.f32 [tilespmem:s31], [sflag:$0x3], $0x80, s21, s29, $0xb8;
	[tilespmem:$0x1CC00] =	vst v63  }
0xcc: {  	_ =	swait.ge [sflag:s10], $0x2000  }
0xcd: {  	[sflag:s10] =	ssyncset.done $0x0  }
0xce: {  	s22 =	rddreg [dreg:$0x12];
	[sflag:s10] =	ssyncadd.s32 $0xFFFFE000  }
0xcf: {  	[tilespmem:s3], [sflag:$0x2] =	stream.indirect.gather [hbm4b:s5+s29], $0x80, s22, s29, $0xb8;
	[tilespmem:$0x1CC00] =	vst v63  }
0xd0: {  	_ =	swait.ge [sflag:s0], $0x2000  }
0xd1: {  	s23 =	rddreg [dreg:$0x13];
	[sflag:s0] =	ssyncset.done $0x0  }
0xd2: {  	p0 =	por $0x0, $0x0;
	s18 =	sld [smem:$0x7F4];
	[sflag:s0] =	ssyncadd.s32 $0xFFFFE000  }
0xd3: {  	[spmem:s2] =	stream.indirect.scatter.add.f32 [tilespmem:s9], [sflag:$0x3], $0x80, s23, s29, $0xb8;
	[tilespmem:$0x1CC00] =	vst v63  }
0xd4: {  	s14 =	sadd.s32 @!p0 $0x0, s13;
	s19 =	simm.s32 @!p0 $0x80;
	_ =	swait.ge [sflag:s10], $0x2000  }
0xd5: {  	s20 =	simm.s32 @!p0 $0x100;
	s7 =	sshrl.u32 @!p0 s18, $0x3;
	[sflag:s10] =	ssyncset.done $0x0  }
0xd6: {  	s22 =	simm.s32 @!p0 $0x0;
	s7 =	sadd.s32 @!p0 s1, s7;
	[sflag:s10] =	ssyncadd.s32 $0xFFFFE000  }
0xd7: {  	[tilespmem:s22], [sflag:$0x1] =	stream.strided.gather @!p0 [hbm4b:s7+s19], $0x200, s20, s19, $0x38;
	[tilespmem:$0x1CC00] =	vst v63  }
0xd8: {  	s7 =	sadd.s32 @!p0 $0x100, s14;
	s19 =	simm.s32 @!p0 $0x400  }
0xd9: {  	[tilespmem:s19], [sflag:$0x1] =	stream.linear.gather @!p0 [hbm4b:s7+s22], $0x400, $0x38;
	[tilespmem:$0x1CC00] =	vst v63  }
0xda: {  	s24 =	rddreg [dreg:$0x14]  }
0xdb: {  	[tilespmem:s30], [sflag:$0x2] =	stream.indirect.gather [hbm4b:s5+s29], $0x80, s24, s29, $0xb8;
	[tilespmem:$0x1CC00] =	vst v63  }
0xdc: {  	_ =	swait.ge [sflag:s0], $0x2000  }
0xdd: {  	[sflag:s0] =	ssyncset.done $0x0  }
0xde: {  	s14 =	rddreg [dreg:$0x15];
	[sflag:s0] =	ssyncadd.s32 $0xFFFFE000  }
0xdf: {  	[spmem:s2] =	stream.indirect.scatter.add.f32 [tilespmem:s3], [sflag:$0x3], $0x80, s14, s29, $0xb8;
	[tilespmem:$0x1CC00] =	vst v63  }
0xe0: {  	_ =	swait.ge [sflag:s10], $0x2000  }
0xe1: {  	[sflag:s10] =	ssyncset.done $0x0  }
0xe2: {  	s19 =	rddreg [dreg:$0x16];
	[sflag:s10] =	ssyncadd.s32 $0xFFFFE000  }
0xe3: {  	[tilespmem:s31], [sflag:$0x2] =	stream.indirect.gather [hbm4b:s5+s29], $0x80, s19, s29, $0xb8;
	[tilespmem:$0x1CC00] =	vst v63  }
0xe4: {  	_ =	swait.ge [sflag:s0], $0x2000  }
0xe5: {  	[sflag:s0] =	ssyncset.done $0x0  }
0xe6: {  	s20 =	rddreg [dreg:$0x17];
	[sflag:s0] =	ssyncadd.s32 $0xFFFFE000  }
0xe7: {  	[spmem:s2] =	stream.indirect.scatter.add.f32 [tilespmem:s30], [sflag:$0x3], $0x80, s20, s29, $0xb8;
	[tilespmem:$0x1CC00] =	vst v63  }
0xe8: {  	_ =	swait.ge [sflag:s10], $0x2000  }
0xe9: {  	[sflag:s10] =	ssyncset.done $0x0  }
0xea: {  	s21 =	rddreg [dreg:$0x18];
	[sflag:s10] =	ssyncadd.s32 $0xFFFFE000  }
0xeb: {  	[tilespmem:s9], [sflag:$0x2] =	stream.indirect.gather [hbm4b:s5+s29], $0x80, s21, s29, $0xb8;
	[tilespmem:$0x1CC00] =	vst v63  }
0xec: {  	_ =	swait.ge [sflag:s0], $0x2000  }
0xed: {  	[sflag:s0] =	ssyncset.done $0x0  }
0xee: {  	s22 =	rddreg [dreg:$0x19];
	[sflag:s0] =	ssyncadd.s32 $0xFFFFE000  }
0xef: {  	[spmem:s2] =	stream.indirect.scatter.add.f32 [tilespmem:s31], [sflag:$0x3], $0x80, s22, s29, $0xb8;
	[tilespmem:$0x1CC00] =	vst v63  }
0xf0: {  	_ =	swait.ge [sflag:s10], $0x2000  }
0xf1: {  	[sflag:s10] =	ssyncset.done $0x0  }
0xf2: {  	s23 =	rddreg [dreg:$0x1a];
	[sflag:s10] =	ssyncadd.s32 $0xFFFFE000  }
0xf3: {  	[tilespmem:s3], [sflag:$0x2] =	stream.indirect.gather [hbm4b:s5+s29], $0x80, s23, s29, $0xb8;
	[tilespmem:$0x1CC00] =	vst v63  }
0xf4: {  	_ =	swait.ge [sflag:s0], $0x2000  }
0xf5: {  	[sflag:s0] =	ssyncset.done $0x0  }
0xf6: {  	s24 =	rddreg [dreg:$0x1b];
	[sflag:s0] =	ssyncadd.s32 $0xFFFFE000  }
0xf7: {  	[spmem:s2] =	stream.indirect.scatter.add.f32 [tilespmem:s9], [sflag:$0x3], $0x80, s24, s29, $0xb8;
	[tilespmem:$0x1CC00] =	vst v63  }
0xf8: {  	_ =	swait.ge [sflag:s10], $0x2000  }
0xf9: {  	[sflag:s10] =	ssyncset.done $0x0  }
0xfa: {  	s7 =	simm.s32 @!p0 $0x1;
	[sflag:s10] =	ssyncadd.s32 $0xFFFFE000  }
0xfb: {  	_ =	swait.ge @!p0 [sflag:s7], $0x200  }
0xfc: {  	[sflag:s7] =	ssyncset.done @!p0 $0x0  }
0xfd: {  	[sflag:s7] =	ssyncadd.s32 @!p0 $0xFFFFFE00  }
0xfe: {  	_ =	swait.ge @!p0 [sflag:s7], $0x400  }
0xff: {  	p2 =	por $0x0, $0x0;
	[sflag:s7] =	ssyncset.done @!p0 $0x0  }
0x100: {  	s14 =	simm.s32 @p2 $0x2;
	[sflag:s7] =	ssyncadd.s32 @!p0 $0xFFFFFC00  }
0x101: {  	_ =	swait.ge @p2 [sflag:s14], $0x2000  }
0x102: {  	s19 =	simm.s32 @p2 $0x40;
	s20 =	simm.s32 @p2 $0xB80;
	[sflag:s14] =	ssyncset.done @p2 $0x0  }
0x103: {  	s7 =	simm.s32 @p2 $0x6C00;
	[sflag:s14] =	ssyncadd.s32 @p2 $0xFFFFE000;
	s14 =	simm.s32 @p2 $0x3  }
0x104: {  	[spmem:s2] =	stream.indirect.scatter.add.f32 @p2 [tilespmem:s7], [sflag:$0x3], $0x80, s20, s19, $0xb8;
	[tilespmem:$0x1CC00] =	vst v63  }
0x105: {  	_ =	swait.ge @p2 [sflag:s14], $0x2000  }
0x106: {  	s24 =	simm.s32 @!p2 $0x40;
	s7 =	simm.s32 @!p2 $0xC00;
	[sflag:s14] =	ssyncset.done @p2 $0x0  }
0x107: {  	s19 =	simm.s32 @!p2 $0x0;
	[sflag:s14] =	ssyncadd.s32 @p2 $0xFFFFE000;
	s14 =	simm.s32 @!p2 $0x2  }
0x108: {  	[tilespmem:s7], [sflag:$0x2] =	stream.indirect.gather @!p2 [hbm4b:s5+s24], $0x80, s19, s24, $0xb8;
	[tilespmem:$0x1CC00] =	vst v63  }
0x109: {  	_ =	swait.ge @!p2 [sflag:s14], $0x2000  }
0x10a: {  	[sflag:s14] =	ssyncset.done @!p2 $0x0  }
0x10b: {  	s7 =	simm.s32 @!p2 $0xB80;
	s19 =	simm.s32 @!p2 $0x6C00;
	[sflag:s14] =	ssyncadd.s32 @!p2 $0xFFFFE000  }
0x10c: {  	[spmem:s2] =	stream.indirect.scatter.add.f32 @!p2 [tilespmem:s19], [sflag:$0x3], $0x80, s7, s24, $0xb8;
	[tilespmem:$0x1CC00] =	vst v63  }
0x10d: {  	s23 =	simm.s32 @!p2 $0x2C00;
	s20 =	simm.s32 $0x3;
	s7 =	simm.s32 @!p2 $0x3  }
0x10e: {  	s14 =	smov.u32 s18;
	s19 =	simm.s32 $0x100;
	_ =	swait.ge @!p2 [sflag:s7], $0x2000  }
.LBB2_2:
0x10f: {  	[sflag:s7] =	ssyncset.done @!p2 $0x0  }
0x110: {  	[sflag:s7] =	ssyncadd.s32 @!p2 $0xFFFFE000  }
0x111: {  	[tilespmem:s23], [sflag:$0x2] =	stream.indirect.gather @!p2 [hbm4b:s5+s24], $0x80, s24, s24, $0xb8;
	[tilespmem:$0x1CC00] =	vst v63  }
0x112: {  	s22 =	smov.u32 s19;
	_ =	swait.ge [sflag:s0], $0x2000  }
0x113: {  	p1 =	seq.s32 s22, $0x0;
	[sflag:s0] =	ssyncset.done $0x0  }
0x114: {  	s7 =	simm.s32 @p1 $0x80;
	[sflag:s0] =	ssyncadd.s32 $0xFFFFE000  }
0x115: {  	[spmem:s2] =	stream.indirect.scatter.add.f32 [tilespmem:s30], [sflag:$0x3], $0x80, s28, s29, $0xb8;
	[tilespmem:$0x1CC00] =	vst v63  }
0x116: {  	s23 =	simm.s32 @p1 $0x4C00;
	s24 =	simm.s32 @p1 $0x40;
	s21 =	simm.s32 @p1 $0x2  }
0x117: {  	[tilespmem:s23], [sflag:$0x2] =	stream.indirect.gather @p1 [hbm4b:s5+s24], $0x80, s7, s24, $0xb8;
	[tilespmem:$0x1CC00] =	vst v63  }
0x118: {  	_ =	swait.ge @p1 [sflag:s21], $0x2000  }
0x119: {  	s18 =	simm.s32 @!p1 $0x3;
	[sflag:s21] =	ssyncset.done @p1 $0x0  }
0x11a: {  	s7 =	simm.s32 @p1 $0x480;
	s23 =	simm.s32 @p1 $0x2C00;
	[sflag:s21] =	ssyncadd.s32 @p1 $0xFFFFE000  }
0x11b: {  	[spmem:s2] =	stream.indirect.scatter.add.f32 @p1 [tilespmem:s23], [sflag:$0x3], $0x80, s7, s24, $0xb8;
	[tilespmem:$0x1CC00] =	vst v63  }
0x11c: {  	_ =	swait.ge @!p1 [sflag:s18], $0x2000  }
0x11d: {  	s21 =	simm.s32 @!p1 $0x80;
	s7 =	simm.s32 @!p1 $0x40;
	[sflag:s18] =	ssyncset.done @!p1 $0x0  }
0x11e: {  	s23 =	simm.s32 @!p1 $0x2;
	s24 =	simm.s32 @!p1 $0x4C00;
	[sflag:s18] =	ssyncadd.s32 @!p1 $0xFFFFE000  }
0x11f: {  	[tilespmem:s24], [sflag:$0x2] =	stream.indirect.gather @!p1 [hbm4b:s5+s7], $0x80, s21, s7, $0xb8;
	[tilespmem:$0x1CC00] =	vst v63  }
0x120: {  	_ =	swait.ge @!p1 [sflag:s23], $0x2000  }
0x121: {  	[sflag:s23] =	ssyncset.done @!p1 $0x0  }
0x122: {  	s21 =	simm.s32 @!p1 $0x480;
	s24 =	simm.s32 @!p1 $0x2C00;
	[sflag:s23] =	ssyncadd.s32 @!p1 $0xFFFFE000  }
0x123: {  	[spmem:s2] =	stream.indirect.scatter.add.f32 @!p1 [tilespmem:s24], [sflag:$0x3], $0x80, s21, s7, $0xb8;
	[tilespmem:$0x1CC00] =	vst v63  }
0x124: {  	_ =	swait.ge @!p1 [sflag:s18], $0x2000  }
0x125: {  	[sflag:s18] =	ssyncset.done @!p1 $0x0  }
0x126: {  	s23 =	rddreg [dreg:$0x5];
	[sflag:s18] =	ssyncadd.s32 @!p1 $0xFFFFE000  }
0x127: {  	[tilespmem:s3], [sflag:$0x2] =	stream.indirect.gather [hbm4b:s5+s29], $0x80, s23, s29, $0xb8;
	[tilespmem:$0x1CC00] =	vst v63  }
0x128: {  	_ =	swait.ge [sflag:s0], $0x2000  }
0x129: {  	[sflag:s0] =	ssyncset.done $0x0  }
0x12a: {  	s24 =	rddreg [dreg:$0x6];
	[sflag:s0] =	ssyncadd.s32 $0xFFFFE000  }
0x12b: {  	[spmem:s2] =	stream.indirect.scatter.add.f32 [tilespmem:s9], [sflag:$0x3], $0x80, s24, s29, $0xb8;
	[tilespmem:$0x1CC00] =	vst v63  }
0x12c: {  	_ =	swait.ge [sflag:s10], $0x2000  }
0x12d: {  	[sflag:s10] =	ssyncset.done $0x0;
	s18 =	rddreg [dreg:$0x4]  }
0x12e: {  	s21 =	sadd.s32 s22, s13;
	[sflag:s10] =	ssyncadd.s32 $0xFFFFE000;
	s7 =	sadd.s32 s22, s18  }
0x12f: {  	[tilespmem:s11], [sflag:$0x1] =	stream.strided.gather [hbm4b:s7+s25], $0x200, s26, s25, $0x38;
	[tilespmem:$0x1CC00] =	vst v63  }
0x130: {  	s23 =	sadd.s32 $0x80, s21  }
0x131: {  	[tilespmem:s12], [sflag:$0x1] =	stream.linear.gather [hbm4b:s23+s4], $0x400, $0x38;
	[tilespmem:$0x1CC00] =	vst v63  }
0x132: {  	_ = 	snop  }
0x133: {  	[tilespmem:s30], [sflag:$0x2] =	stream.indirect.gather [hbm4b:s5+s29], $0x80, s26, s29, $0xb8;
	[tilespmem:$0x1CC00] =	vst v63  }
0x134: {  	_ =	swait.ge [sflag:s0], $0x2000  }
0x135: {  	[sflag:s0] =	ssyncset.done $0x0  }
0x136: {  	s24 =	rddreg [dreg:$0x7];
	[sflag:s0] =	ssyncadd.s32 $0xFFFFE000  }
0x137: {  	[spmem:s2] =	stream.indirect.scatter.add.f32 [tilespmem:s3], [sflag:$0x3], $0x80, s24, s29, $0xb8;
	[tilespmem:$0x1CC00] =	vst v63  }
0x138: {  	_ =	swait.ge [sflag:s10], $0x2000  }
0x139: {  	[sflag:s10] =	ssyncset.done $0x0  }
0x13a: {  	s18 =	rddreg [dreg:$0x8];
	[sflag:s10] =	ssyncadd.s32 $0xFFFFE000  }
0x13b: {  	[tilespmem:s31], [sflag:$0x2] =	stream.indirect.gather [hbm4b:s5+s29], $0x80, s18, s29, $0xb8;
	[tilespmem:$0x1CC00] =	vst v63  }
0x13c: {  	_ =	swait.ge [sflag:s0], $0x2000  }
0x13d: {  	[sflag:s0] =	ssyncset.done $0x0  }
0x13e: {  	s21 =	rddreg [dreg:$0x9];
	[sflag:s0] =	ssyncadd.s32 $0xFFFFE000  }
0x13f: {  	[spmem:s2] =	stream.indirect.scatter.add.f32 [tilespmem:s30], [sflag:$0x3], $0x80, s21, s29, $0xb8;
	[tilespmem:$0x1CC00] =	vst v63  }
0x140: {  	_ =	swait.ge [sflag:s10], $0x2000  }
0x141: {  	[sflag:s10] =	ssyncset.done $0x0  }
0x142: {  	s23 =	rddreg [dreg:$0xa];
	[sflag:s10] =	ssyncadd.s32 $0xFFFFE000  }
0x143: {  	[tilespmem:s9], [sflag:$0x2] =	stream.indirect.gather [hbm4b:s5+s29], $0x80, s23, s29, $0xb8;
	[tilespmem:$0x1CC00] =	vst v63  }
0x144: {  	_ =	swait.ge [sflag:s0], $0x2000  }
0x145: {  	[sflag:s0] =	ssyncset.done $0x0  }
0x146: {  	s24 =	rddreg [dreg:$0xb];
	[sflag:s0] =	ssyncadd.s32 $0xFFFFE000  }
0x147: {  	[spmem:s2] =	stream.indirect.scatter.add.f32 [tilespmem:s31], [sflag:$0x3], $0x80, s24, s29, $0xb8;
	[tilespmem:$0x1CC00] =	vst v63  }
0x148: {  	_ =	swait.ge [sflag:s10], $0x2000  }
0x149: {  	[sflag:s10] =	ssyncset.done $0x0  }
0x14a: {  	s18 =	rddreg [dreg:$0xc];
	[sflag:s10] =	ssyncadd.s32 $0xFFFFE000  }
0x14b: {  	[tilespmem:s3], [sflag:$0x2] =	stream.indirect.gather [hbm4b:s5+s29], $0x80, s18, s29, $0xb8;
	[tilespmem:$0x1CC00] =	vst v63  }
0x14c: {  	_ =	swait.ge [sflag:s0], $0x2000  }
0x14d: {  	[sflag:s0] =	ssyncset.done $0x0  }
0x14e: {  	s21 =	rddreg [dreg:$0xd];
	[sflag:s0] =	ssyncadd.s32 $0xFFFFE000  }
0x14f: {  	[spmem:s2] =	stream.indirect.scatter.add.f32 [tilespmem:s9], [sflag:$0x3], $0x80, s21, s29, $0xb8;
	[tilespmem:$0x1CC00] =	vst v63  }
0x150: {  	_ =	swait.ge [sflag:s10], $0x2000  }
0x151: {  	[sflag:s10] =	ssyncset.done $0x0  }
0x152: {  	[sflag:s10] =	ssyncadd.s32 $0xFFFFE000  }
0x153: {  	_ =	swait.ge [sflag:s16], $0x200  }
0x154: {  	[sflag:s16] =	ssyncset.done $0x0  }
0x155: {  	[sflag:s16] =	ssyncadd.s32 $0xFFFFFE00  }
0x156: {  	_ =	swait.ge [sflag:s16], $0x400  }
0x157: {  	[sflag:s16] =	ssyncset.done $0x0  }
0x158: {  	[sflag:s16] =	ssyncadd.s32 $0xFFFFFC00  }
0x159: {  	[tilespmem:s30], [sflag:$0x2] =	stream.indirect.gather [hbm4b:s5+s29], $0x80, s11, s29, $0xb8;
	[tilespmem:$0x1CC00] =	vst v63  }
0x15a: {  	_ =	swait.ge [sflag:s0], $0x2000  }
0x15b: {  	[sflag:s0] =	ssyncset.done $0x0  }
0x15c: {  	s23 =	rddreg [dreg:$0xe];
	[sflag:s0] =	ssyncadd.s32 $0xFFFFE000  }
0x15d: {  	[spmem:s2] =	stream.indirect.scatter.add.f32 [tilespmem:s3], [sflag:$0x3], $0x80, s23, s29, $0xb8;
	[tilespmem:$0x1CC00] =	vst v63  }
0x15e: {  	_ =	swait.ge [sflag:s10], $0x2000  }
0x15f: {  	[sflag:s10] =	ssyncset.done $0x0  }
0x160: {  	s24 =	rddreg [dreg:$0xf];
	[sflag:s10] =	ssyncadd.s32 $0xFFFFE000  }
0x161: {  	[tilespmem:s31], [sflag:$0x2] =	stream.indirect.gather [hbm4b:s5+s29], $0x80, s24, s29, $0xb8;
	[tilespmem:$0x1CC00] =	vst v63  }
0x162: {  	_ =	swait.ge [sflag:s0], $0x2000  }
0x163: {  	[sflag:s0] =	ssyncset.done $0x0  }
0x164: {  	[sflag:s0] =	ssyncadd.s32 $0xFFFFE000  }
0x165: {  	[spmem:s2] =	stream.indirect.scatter.add.f32 [tilespmem:s30], [sflag:$0x3], $0x80, s12, s29, $0xb8;
	[tilespmem:$0x1CC00] =	vst v63  }
0x166: {  	_ =	swait.ge [sflag:s10], $0x2000  }
0x167: {  	[sflag:s10] =	ssyncset.done $0x0  }
0x168: {  	s18 =	rddreg [dreg:$0x10];
	[sflag:s10] =	ssyncadd.s32 $0xFFFFE000  }
0x169: {  	[tilespmem:s9], [sflag:$0x2] =	stream.indirect.gather [hbm4b:s5+s29], $0x80, s18, s29, $0xb8;
	[tilespmem:$0x1CC00] =	vst v63  }
0x16a: {  	_ =	swait.ge [sflag:s0], $0x2000  }
0x16b: {  	[sflag:s0] =	ssyncset.done $0x0  }
0x16c: {  	s21 =	rddreg [dreg:$0x11];
	[sflag:s0] =	ssyncadd.s32 $0xFFFFE000  }
0x16d: {  	[spmem:s2] =	stream.indirect.scatter.add.f32 [tilespmem:s31], [sflag:$0x3], $0x80, s21, s29, $0xb8;
	[tilespmem:$0x1CC00] =	vst v63  }
0x16e: {  	_ =	swait.ge [sflag:s10], $0x2000  }
0x16f: {  	[sflag:s10] =	ssyncset.done $0x0  }
0x170: {  	s23 =	rddreg [dreg:$0x12];
	[sflag:s10] =	ssyncadd.s32 $0xFFFFE000  }
0x171: {  	[tilespmem:s3], [sflag:$0x2] =	stream.indirect.gather [hbm4b:s5+s29], $0x80, s23, s29, $0xb8;
	[tilespmem:$0x1CC00] =	vst v63  }
0x172: {  	_ =	swait.ge [sflag:s0], $0x2000  }
0x173: {  	s14 =	sadd.s32 $0x800, s14;
	p1 =	seq.s32 s22, $0x900;
	[sflag:s0] =	ssyncset.done $0x0  }
0x174: {  	s18 =	sshrl.u32 @!p1 s14, $0x3;
	s24 =	rddreg [dreg:$0x13];
	[sflag:s0] =	ssyncadd.s32 $0xFFFFE000  }
0x175: {  	[spmem:s2] =	stream.indirect.scatter.add.f32 [tilespmem:s9], [sflag:$0x3], $0x80, s24, s29, $0xb8;
	[tilespmem:$0x1CC00] =	vst v63  }
0x176: {  	s7 =	sadd.s32 @!p1 s1, s18;
	_ =	swait.ge [sflag:s10], $0x2000  }
0x177: {  	s18 =	simm.s32 @!p1 $0x80;
	s21 =	sadd.s32 @!p1 s22, s13;
	[sflag:s10] =	ssyncset.done $0x0  }
0x178: {  	s22 =	simm.s32 @!p1 $0x100;
	s23 =	simm.s32 @!p1 $0x0;
	[sflag:s10] =	ssyncadd.s32 $0xFFFFE000  }
0x179: {  	[tilespmem:s23], [sflag:$0x1] =	stream.strided.gather @!p1 [hbm4b:s7+s18], $0x200, s22, s18, $0x38;
	[tilespmem:$0x1CC00] =	vst v63  }
0x17a: {  	s21 =	sadd.s32 @!p1 $0x100, s21;
	s7 =	simm.s32 @!p1 $0x400  }
0x17b: {  	[tilespmem:s7], [sflag:$0x1] =	stream.linear.gather @!p1 [hbm4b:s21+s23], $0x400, $0x38;
	[tilespmem:$0x1CC00] =	vst v63  }
0x17c: {  	s24 =	rddreg [dreg:$0x14]  }
0x17d: {  	[tilespmem:s30], [sflag:$0x2] =	stream.indirect.gather [hbm4b:s5+s29], $0x80, s24, s29, $0xb8;
	[tilespmem:$0x1CC00] =	vst v63  }
0x17e: {  	_ =	swait.ge [sflag:s0], $0x2000  }
0x17f: {  	[sflag:s0] =	ssyncset.done $0x0  }
0x180: {  	s23 =	rddreg [dreg:$0x15];
	[sflag:s0] =	ssyncadd.s32 $0xFFFFE000  }
0x181: {  	[spmem:s2] =	stream.indirect.scatter.add.f32 [tilespmem:s3], [sflag:$0x3], $0x80, s23, s29, $0xb8;
	[tilespmem:$0x1CC00] =	vst v63  }
0x182: {  	_ =	swait.ge [sflag:s10], $0x2000  }
0x183: {  	[sflag:s10] =	ssyncset.done $0x0  }
0x184: {  	s24 =	rddreg [dreg:$0x16];
	[sflag:s10] =	ssyncadd.s32 $0xFFFFE000  }
0x185: {  	[tilespmem:s31], [sflag:$0x2] =	stream.indirect.gather [hbm4b:s5+s29], $0x80, s24, s29, $0xb8;
	[tilespmem:$0x1CC00] =	vst v63  }
0x186: {  	_ =	swait.ge [sflag:s0], $0x2000  }
0x187: {  	[sflag:s0] =	ssyncset.done $0x0  }
0x188: {  	s18 =	rddreg [dreg:$0x17];
	[sflag:s0] =	ssyncadd.s32 $0xFFFFE000  }
0x189: {  	[spmem:s2] =	stream.indirect.scatter.add.f32 [tilespmem:s30], [sflag:$0x3], $0x80, s18, s29, $0xb8;
	[tilespmem:$0x1CC00] =	vst v63  }
0x18a: {  	_ =	swait.ge [sflag:s10], $0x2000  }
0x18b: {  	[sflag:s10] =	ssyncset.done $0x0  }
0x18c: {  	s21 =	rddreg [dreg:$0x18];
	[sflag:s10] =	ssyncadd.s32 $0xFFFFE000  }
0x18d: {  	[tilespmem:s9], [sflag:$0x2] =	stream.indirect.gather [hbm4b:s5+s29], $0x80, s21, s29, $0xb8;
	[tilespmem:$0x1CC00] =	vst v63  }
0x18e: {  	_ =	swait.ge [sflag:s0], $0x2000  }
0x18f: {  	[sflag:s0] =	ssyncset.done $0x0  }
0x190: {  	s22 =	rddreg [dreg:$0x19];
	[sflag:s0] =	ssyncadd.s32 $0xFFFFE000  }
0x191: {  	[spmem:s2] =	stream.indirect.scatter.add.f32 [tilespmem:s31], [sflag:$0x3], $0x80, s22, s29, $0xb8;
	[tilespmem:$0x1CC00] =	vst v63  }
0x192: {  	_ =	swait.ge [sflag:s10], $0x2000  }
0x193: {  	[sflag:s10] =	ssyncset.done $0x0  }
0x194: {  	s23 =	rddreg [dreg:$0x1a];
	[sflag:s10] =	ssyncadd.s32 $0xFFFFE000  }
0x195: {  	[tilespmem:s3], [sflag:$0x2] =	stream.indirect.gather [hbm4b:s5+s29], $0x80, s23, s29, $0xb8;
	[tilespmem:$0x1CC00] =	vst v63  }
0x196: {  	_ =	swait.ge [sflag:s0], $0x2000  }
0x197: {  	[sflag:s0] =	ssyncset.done $0x0  }
0x198: {  	s24 =	rddreg [dreg:$0x1b];
	[sflag:s0] =	ssyncadd.s32 $0xFFFFE000  }
0x199: {  	[spmem:s2] =	stream.indirect.scatter.add.f32 [tilespmem:s9], [sflag:$0x3], $0x80, s24, s29, $0xb8;
	[tilespmem:$0x1CC00] =	vst v63  }
0x19a: {  	_ =	swait.ge [sflag:s10], $0x2000  }
0x19b: {  	[sflag:s10] =	ssyncset.done $0x0  }
0x19c: {  	s7 =	simm.s32 @!p1 $0x1;
	[sflag:s10] =	ssyncadd.s32 $0xFFFFE000  }
0x19d: {  	_ =	swait.ge @!p1 [sflag:s7], $0x200  }
0x19e: {  	[sflag:s7] =	ssyncset.done @!p1 $0x0  }
0x19f: {  	[sflag:s7] =	ssyncadd.s32 @!p1 $0xFFFFFE00  }
0x1a0: {  	_ =	swait.ge @!p1 [sflag:s7], $0x400  }
0x1a1: {  	p2 =	sgt.u32 s20, $0x12;
	[sflag:s7] =	ssyncset.done @!p1 $0x0  }
0x1a2: {  	s18 =	simm.s32 @p2 $0x2;
	[sflag:s7] =	ssyncadd.s32 @!p1 $0xFFFFFC00  }
0x1a3: {  	s19 =	sadd.s32 $0x100, s19;
	_ =	swait.ge @p2 [sflag:s18], $0x2000  }
0x1a4: {  	s21 =	simm.s32 @p2 $0x40;
	s22 =	simm.s32 @p2 $0xB80;
	[sflag:s18] =	ssyncset.done @p2 $0x0  }
0x1a5: {  	s7 =	simm.s32 @p2 $0x6C00;
	[sflag:s18] =	ssyncadd.s32 @p2 $0xFFFFE000;
	s18 =	simm.s32 @p2 $0x3  }
0x1a6: {  	[spmem:s2] =	stream.indirect.scatter.add.f32 @p2 [tilespmem:s7], [sflag:$0x3], $0x80, s22, s21, $0xb8;
	[tilespmem:$0x1CC00] =	vst v63  }
0x1a7: {  	p0 =	sne.s32 s19, $0xA00;
	_ =	swait.ge @p2 [sflag:s18], $0x2000  }
0x1a8: {  	s24 =	simm.s32 @!p2 $0x40;
	s7 =	simm.s32 @!p2 $0xC00;
	[sflag:s18] =	ssyncset.done @p2 $0x0  }
0x1a9: {  	s21 =	simm.s32 @!p2 $0x0;
	[sflag:s18] =	ssyncadd.s32 @p2 $0xFFFFE000;
	s18 =	simm.s32 @!p2 $0x2  }
0x1aa: {  	[tilespmem:s7], [sflag:$0x2] =	stream.indirect.gather @!p2 [hbm4b:s5+s24], $0x80, s21, s24, $0xb8;
	[tilespmem:$0x1CC00] =	vst v63  }
.Ltmp0:
0x1ab: {  	_ =	swait.ge @!p2 [sflag:s18], $0x2000;
	(pc) =	sbr.rel @p0 .LBB2_2-.Ltmp0, $4  }
0x1ac: {  	s22 =	simm.s32 @!p2 $0x6C00;
	[sflag:s18] =	ssyncset.done @!p2 $0x0  }
0x1ad: {  	s21 =	simm.s32 @!p2 $0xB80;
	s7 =	simm.s32 @!p2 $0x3;
	[sflag:s18] =	ssyncadd.s32 @!p2 $0xFFFFE000  }
0x1ae: {  	[spmem:s2] =	stream.indirect.scatter.add.f32 @!p2 [tilespmem:s22], [sflag:$0x3], $0x80, s21, s24, $0xb8;
	[tilespmem:$0x1CC00] =	vst v63  }
0x1af: {  	s20 =	sadd.s32 $0x2, s20;
	s23 =	simm.s32 @!p2 $0x2C00;
	_ =	swait.ge @!p2 [sflag:s7], $0x2000  }
0x1b0: {  	[sflag:s7] =	ssyncset.done @!p2 $0x0  }
0x1b1: {  	[sflag:s7] =	ssyncadd.s32 @!p2 $0xFFFFE000  }
0x1b2: {  	[tilespmem:s23], [sflag:$0x2] =	stream.indirect.gather @!p2 [hbm4b:s5+s24], $0x80, s24, s24, $0xb8;
	[tilespmem:$0x1CC00] =	vst v63  }
0x1b3: {  	_ =	swait.ge [sflag:s10], $0x2000  }
0x1b4: {  	[sflag:s10] =	ssyncset.done $0x0  }
0x1b5: {  	[sflag:s10] =	ssyncadd.s32 $0xFFFFE000  }
0x1b6: {  	_ =	swait.ge [sflag:s10], $0x2000  }
0x1b7: {  	[sflag:s10] =	ssyncset.done $0x0  }
0x1b8: {  	[sflag:s10] =	ssyncadd.s32 $0xFFFFE000  }
0x1b9: {  	[bflag:$0x0] =	sbarrier.arrive $0xFFFF  }
0x1ba: {  	s14 =	sld [smem:$0x7F2];
	_ =	sdelay $0x1  }
0x1bb: {  	s23 =	rddreg [dreg:$0x1f]  }
0x1bc: {  	[hbm:s23], [sflag:s8] =	dma.local [spmem:s14], $0x2800  }
0x1bd: {  	_ =	swait.ge [sflag:s15], $0x2800  }
0x1be: {  	s24 =	sld [smem:$0x7F3];
	_ =	sdelay $0x1  }
0x1bf: {  	s17 =	sadd.s32 $0x1, s17  }
0x1c0: {  	p0 =	sne.s32 s17, s24  }
.Ltmp1:
0x1c1: {  	_ = 	snop;
	(pc) =	sbr.rel @p0 .LBB2_1-.Ltmp1, $3  }
0x1c2: {  	_ =	sdelay $0x1  }
0x1c3: {  	[sflag:s15] =	ssyncset.done $0x0  }
0x1c4: {  	[sflag:s15] =	ssyncadd.s32 $0xFFFFD800  }
0x1c5: {  	_ =	sfence.sel $0x180000  }
0x1c6: {  	[bflag:$0x0] =	sbarrier.arrive $0xFFFF  }
0x1c7: {  	_ =	strace $0x9000004A  }
0x1c8: {  	s0 =	stileid.u32;
	[bflag:$0x2] =	sbarrier.arrive $0xFFFF  }
0x1c9: {  	p0 =	sne.s32 s0, $0x0;
	s0 =	rddreg [dreg:$0x3]  }
0x1ca: {  	s0 =	sadd.s32 @!p0 $0x100000, s0  }
0x1cb: {  	[sflag:s0] =	ssyncadd.tile.s32 @!p0 $0x1;
	_ =	shalt  }
.Lfunc_end2:
_tile_overlayer_lowered:
.L_overlay_start_2:
0x1cc: {  	(tag) =	ssettag $0x2  }
0x1cd: {  	s0 =	rddreg [dreg:$0x0];
	s2 =	stileid.u32  }
0x1ce: {  	s1 =	rddreg [dreg:$0x1];
	p0 =	sne.s32 s2, $0x0  }
0x1cf: {  	s3 =	rddreg [dreg:$0x2];
	[bflag:$0x3] =	sbarrier.arrive $0xFFFF;
	s2 =	simm.s32 @!p0 $0x1C04  }
0x1d0: {  	[timem:s3], [sflag:s2] =	dma.local @!p0 [hbm:s0], s1  }
0x1d1: {  	s0 =	simm.s32 @!p0 $0x4  }
0x1d2: {  	_ =	swait.ge @!p0 [sflag:s0], s1  }
0x1d3: {  	s1 =	ssub.s32 @!p0 $0x0, s1;
	[sflag:s0] =	ssyncset.done @!p0 $0x0  }
0x1d4: {  	[sflag:s0] =	ssyncadd.s32 @!p0 s1  }
0x1d5: {  	[bflag:$0x3] =	sbarrier.arrive $0xFFFF  }
0x1d6: {  	_ =	shalt  }

</sc_bundles>
